<compile_context>
chip_gen: v7x
topology: tpu7x:2x2x1
jax: 0.10.2.dev20260603
libtpu: 0.0.44.dev20260713+nightly
codegen_flags: <defaults>
</compile_context>

<pallas_src>
import functools

import jax
import jax.numpy as jnp
from jax import lax
from jax.experimental import pallas as pl
from jax.experimental.pallas import tpu as pltpu
from jax.experimental.pallas import tpu_sc as plsc

B, L, H = 1024, 200, 64
N = B * L
EPS = 1e-12

_NC, _NS = 2, 16
NW = _NC * _NS
ROWS_PER_W = N // NW
GCH = 128
NG = ROWS_PER_W // GCH
SUP = 5
NSUP = NG // SUP
SROWS = SUP * GCH


def _sc_gather_body(ids_hbm, table_hbm, out_hbm, idx_v, rows_a, rows_b, sem,
                    osem):
    wid = lax.axis_index("s") * _NC + lax.axis_index("c")
    pltpu.sync_copy(ids_hbm.at[wid], idx_v)
    bufs = (rows_a, rows_b)

    def fire(s, buf):
        for k in range(SUP):
            pltpu.async_copy(
                table_hbm.at[idx_v.at[s * SUP + k]],
                buf.at[pl.ds(k * GCH, GCH)],
                sem,
            )

    def wait_gathers(buf):
        pltpu.make_async_copy(
            table_hbm.at[pl.ds(0, SROWS)], buf, sem).wait()

    def wait_store(buf):
        pltpu.make_async_copy(
            buf, out_hbm.at[pl.ds(wid * ROWS_PER_W, SROWS), pl.ds(0, H)],
            osem).wait()

    fire(0, bufs[0])
    for s in range(NSUP):
        if s + 1 < NSUP:
            if s >= 1:
                wait_store(bufs[(s + 1) % 2])
            fire(s + 1, bufs[(s + 1) % 2])
        wait_gathers(bufs[s % 2])
        pltpu.async_copy(
            bufs[s % 2],
            out_hbm.at[pl.ds(wid * ROWS_PER_W + s * SROWS, SROWS),
                       pl.ds(0, H)],
            osem,
        )
    wait_store(bufs[(NSUP - 1) % 2])
    wait_store(bufs[(NSUP - 2) % 2])


@functools.cache
def _sc_gather():
    return pl.kernel(
        _sc_gather_body,
        out_type=jax.ShapeDtypeStruct((N, 2 * H), jnp.float32),
        mesh=plsc.VectorSubcoreMesh(core_axis_name="c", subcore_axis_name="s"),
        compiler_params=pltpu.CompilerParams(use_tc_tiling_on_sc=False),
        scratch_types=[
            pltpu.VMEM((NG, GCH), jnp.int32),
            pltpu.VMEM((SROWS, H), jnp.float32),
            pltpu.VMEM((SROWS, H), jnp.float32),
            pltpu.SemaphoreType.DMA,
            pltpu.SemaphoreType.DMA,
        ],
    )


R = 4096
NB = N // R


_INV_PI = 0.3183098861837907
_RND = 12582912.0
_PI_HI = 3.1415927410125732
_PI_LO = -8.742277657347586e-08


def _fast_sin(x):
    kf = lax.round(x * _INV_PI, lax.RoundingMethod.TO_NEAREST_EVEN)
    r = x - kf * _PI_HI
    r = r - kf * _PI_LO
    ki = kf.astype(jnp.int32)
    sign = lax.shift_left(lax.bitwise_and(ki, 1), 31)
    r2 = r * r
    p = -1.0 / 5040.0 + r2 * (1.0 / 362880.0)
    p = 1.0 / 120.0 + r2 * p
    p = -1.0 / 6.0 + r2 * p
    p = r + r * (r2 * p)
    pbits = lax.bitcast_convert_type(p, jnp.int32)
    return lax.bitcast_convert_type(lax.bitwise_xor(pbits, sign), jnp.float32)


def _combine_body(g_ref, tt_ref, age_ref, ap_ref, seg_ref, wa_ref, ba_ref,
                  wp_ref, bp_ref, gam_ref, bet_ref, o_ref):
    i = pl.program_id(0)
    g = g_ref[:, 0:H]
    li = lax.broadcasted_iota(jnp.int32, (1, NB), 1)
    colmask = (li == i).astype(jnp.float32)
    tt = jnp.sum(tt_ref[...] * colmask, axis=1, keepdims=True)
    age = jnp.sum(age_ref[...] * colmask, axis=1, keepdims=True)
    ap = jnp.sum(ap_ref[...] * colmask, axis=1, keepdims=True)
    seg = seg_ref[0:1, :] + tt * (seg_ref[1:2, :] - seg_ref[0:1, :])
    hmask = lax.broadcasted_iota(jnp.int32, (1, H), 1) == 0
    va = age * wa_ref[...] + ba_ref[...]
    t2a = jnp.where(hmask, va, _fast_sin(va))
    vp = ap * wp_ref[...] + bp_ref[...]
    t2p = jnp.where(hmask, vp, _fast_sin(vp))
    emb = g + seg + t2a + t2p
    mu = jnp.mean(emb, axis=1, keepdims=True)
    d = emb - mu
    var = jnp.mean(d * d, axis=1, keepdims=True)
    o_ref[...] = d * lax.rsqrt(var + EPS) * gam_ref[...] + bet_ref[...]


_combine_specs = [
    pl.BlockSpec((R, 2 * H), lambda i: (i, 0)),
    pl.BlockSpec((R, NB), lambda i: (0, 0)),
    pl.BlockSpec((R, NB), lambda i: (0, 0)),
    pl.BlockSpec((R, NB), lambda i: (0, 0)),
    pl.BlockSpec((2, H), lambda i: (0, 0)),
    pl.BlockSpec((1, H), lambda i: (0, 0)),
    pl.BlockSpec((1, H), lambda i: (0, 0)),
    pl.BlockSpec((1, H), lambda i: (0, 0)),
    pl.BlockSpec((1, H), lambda i: (0, 0)),
    pl.BlockSpec((1, H), lambda i: (0, 0)),
    pl.BlockSpec((1, H), lambda i: (0, 0)),
]

_combine = pl.pallas_call(
    _combine_body,
    grid=(NB,),
    in_specs=_combine_specs,
    out_specs=pl.BlockSpec((R, H), lambda i: (i, 0)),
    out_shape=jax.ShapeDtypeStruct((N, H), jnp.float32),
)


def kernel(input_ids, token_type_ids, age, abspos, concept_table,
           segment_table, age_w0, age_b0, age_w, age_b, abs_w0, abs_b0,
           abs_w, abs_b, ln_gamma, ln_beta):
    ids = input_ids.astype(jnp.int32).reshape(NW, NG, GCH)
    gathered = _sc_gather()(ids, concept_table)
    ttT = token_type_ids.astype(jnp.float32).reshape(NB, R).T
    ageT = age.reshape(NB, R).T
    apT = abspos.reshape(NB, R).T
    wa = jnp.concatenate([age_w0, age_w]).reshape(1, H)
    ba = jnp.concatenate([age_b0, age_b]).reshape(1, H)
    wp = jnp.concatenate([abs_w0, abs_w]).reshape(1, H)
    bp = jnp.concatenate([abs_b0, abs_b]).reshape(1, H)
    gam = ln_gamma.reshape(1, H)
    bet = ln_beta.reshape(1, H)
    out = _combine(gathered, ttT, ageT, apT, segment_table,
                   wa, ba, wp, bp, gam, bet)
    return out.reshape(B, L, H)

# --- scband reference (transcript-rebuilt; emitter-appended) ---
"""Pipeline reference for scband-ehr-embeddings-72000831750380 (READ-ONLY COPY).

The authoritative reference and input builder live on the scoring server;
editing this copy changes nothing except your own understanding.
"""

import jax, jax.numpy as jnp
import numpy as np

VOCAB = 1000000
TYPES = 2
H = 64
B = 1024
L = 200
EPS = 1e-12


def _time2vec(t, w0, b0, w, b):
    # t: [B, L] float; w0,b0: [1]; w,b: [H-1]
    lin = t[..., None] * w0 + b0                 # [B, L, 1]
    per = jnp.sin(t[..., None] * w + b)          # [B, L, H-1]
    return jnp.concatenate([lin, per], axis=-1)  # [B, L, H]


def setup_inputs(seed: int = 0) -> dict:
    key = jax.random.key(seed)
    ks = jax.random.split(key, 12)
    input_ids = jax.random.randint(ks[0], (B, L), 0, VOCAB, dtype=jnp.int64 if jax.config.jax_enable_x64 else jnp.int32)
    token_type_ids = jax.random.randint(ks[1], (B, L), 0, TYPES, dtype=jnp.int64 if jax.config.jax_enable_x64 else jnp.int32)
    age = jax.random.uniform(ks[2], (B, L), dtype=jnp.float32)
    abspos = jax.random.uniform(ks[3], (B, L), dtype=jnp.float32)
    concept_table = jax.random.normal(ks[4], (VOCAB, H), dtype=jnp.float32) * 0.02
    segment_table = jax.random.normal(ks[5], (TYPES, H), dtype=jnp.float32) * 0.02
    age_w0 = jax.random.normal(ks[6], (1,), dtype=jnp.float32)
    age_b0 = jnp.zeros((1,), dtype=jnp.float32)
    age_w = jax.random.normal(ks[7], (H - 1,), dtype=jnp.float32)
    age_b = jnp.zeros((H - 1,), dtype=jnp.float32)
    abs_w0 = jax.random.normal(ks[8], (1,), dtype=jnp.float32)
    abs_b0 = jnp.zeros((1,), dtype=jnp.float32)
    abs_w = jax.random.normal(ks[9], (H - 1,), dtype=jnp.float32)
    abs_b = jnp.zeros((H - 1,), dtype=jnp.float32)
    ln_gamma = jnp.ones((H,), dtype=jnp.float32)
    ln_beta = jnp.zeros((H,), dtype=jnp.float32)
    return {
        'input_ids': input_ids,
        'token_type_ids': token_type_ids,
        'age': age,
        'abspos': abspos,
        'concept_table': concept_table,
        'segment_table': segment_table,
        'age_w0': age_w0, 'age_b0': age_b0, 'age_w': age_w, 'age_b': age_b,
        'abs_w0': abs_w0, 'abs_b0': abs_b0, 'abs_w': abs_w, 'abs_b': abs_b,
        'ln_gamma': ln_gamma, 'ln_beta': ln_beta,
    }


def reference(input_ids, token_type_ids, age, abspos, concept_table, segment_table,
              age_w0, age_b0, age_w, age_b, abs_w0, abs_b0, abs_w, abs_b,
              ln_gamma, ln_beta):
    # a = b = c = d = 1 (linear=False)
    emb = jnp.take(concept_table, input_ids, axis=0)               # concept embedding lookup
    emb = emb + jnp.take(segment_table, token_type_ids, axis=0)   # segment embedding lookup
    emb = emb + _time2vec(age, age_w0, age_b0, age_w, age_b)      # age Time2Vec
    emb = emb + _time2vec(abspos, abs_w0, abs_b0, abs_w, abs_b)   # abspos Time2Vec
    mu = jnp.mean(emb, axis=-1, keepdims=True)
    var = jnp.var(emb, axis=-1, keepdims=True)
    emb = (emb - mu) / jnp.sqrt(var + EPS) * ln_gamma + ln_beta   # LayerNorm
    # dropout is identity in eval mode
    return emb

if __name__ == "__main__":
    import jax
    _d = setup_inputs()
    print(jax.jit(kernel)(*tuple(_d.values())))

</pallas_src>

<mosaic_0001>
#map = affine_map<(d0, d1) -> (0, 0, 0)>
#map1 = affine_map<(d0, d1) -> (0, 0)>
module attributes {stable_mosaic.version = 14 : i64} {
  func.func @_sc_gather_body(%arg0: i32, %arg1: i32, %arg2: memref<32x50x128xi32, #tpu.memory_space<hbm>>, %arg3: memref<1000000x64xf32, #tpu.memory_space<hbm>>, %arg4: memref<204800x128xf32, #tpu.memory_space<hbm>>, %arg5: memref<50x128xi32, #tpu.memory_space<vmem>>, %arg6: memref<640x64xf32, #tpu.memory_space<vmem>>, %arg7: memref<640x64xf32, #tpu.memory_space<vmem>>, %arg8: memref<!tpu.dma_semaphore, #tpu.memory_space<semaphore_mem>>, %arg9: memref<!tpu.dma_semaphore, #tpu.memory_space<semaphore_mem>>) attributes {dimension_semantics = [#tpu.dimension_semantics<core_parallel>, #tpu.dimension_semantics<subcore_parallel>], iteration_bounds = array<i64: 2, 16>, scalar_prefetch = 0 : i64, scratch_operands = 5 : i64, tpu.core_type = #tpu.core_type<sc_vector_subcore>, window_params = [{transform_indices = #map}, {transform_indices = #map1}, {transform_indices = #map1}]} {
    %mul3A = arith.constant 2 : i32
    %mul3A_0 = arith.muli %arg1, %mul3A : i32
    %add3A = arith.addi %mul3A_0, %arg0 : i32
    "tpu.region"() ({
      %run_scoped3A = tpu.sem_alloc : memref<!tpu.dma_semaphore, #tpu.memory_space<semaphore_mem>>
      %dma_start3A_699 = arith.constant 0 : i32
      %dma_start3A_700 = arith.constant 0 : i32
      %dma_start3A_701 = tpu.memref_slice %arg2[%add3A, %dma_start3A_699, %dma_start3A_700] : memref<32x50x128xi32, #tpu.memory_space<hbm>> -> memref<1x50x128xi32, #tpu.memory_space<hbm>>
      %dma_start3A_702 = tpu.memref_squeeze %dma_start3A_701 : memref<1x50x128xi32, #tpu.memory_space<hbm>> -> memref<50x128xi32, #tpu.memory_space<hbm>>
      %dma_start3A_703 = arith.constant 0 : i32
      %dma_start3A_704 = arith.constant 0 : i32
      %dma_start3A_705 = tpu.memref_slice %arg2[%add3A, %dma_start3A_703, %dma_start3A_704] : memref<32x50x128xi32, #tpu.memory_space<hbm>> -> memref<1x50x128xi32, #tpu.memory_space<hbm>>
      %dma_start3A_706 = tpu.memref_squeeze %dma_start3A_705 : memref<1x50x128xi32, #tpu.memory_space<hbm>> -> memref<50x128xi32, #tpu.memory_space<hbm>>
      tpu.enqueue_dma source(%dma_start3A_706 : memref<50x128xi32, #tpu.memory_space<hbm>>) target(%arg5 : memref<50x128xi32, #tpu.memory_space<vmem>>) target_semaphore(%run_scoped3A : memref<!tpu.dma_semaphore, #tpu.memory_space<semaphore_mem>>)
      %dma_wait3A_707 = arith.constant 0 : i32
      %dma_wait3A_708 = arith.constant 0 : i32
      %dma_wait3A_709 = tpu.memref_slice %arg2[%add3A, %dma_wait3A_707, %dma_wait3A_708] : memref<32x50x128xi32, #tpu.memory_space<hbm>> -> memref<1x50x128xi32, #tpu.memory_space<hbm>>
      %dma_wait3A_710 = tpu.memref_squeeze %dma_wait3A_709 : memref<1x50x128xi32, #tpu.memory_space<hbm>> -> memref<50x128xi32, #tpu.memory_space<hbm>>
      %dma_wait3A_711 = arith.constant 0 : i32
      %dma_wait3A_712 = arith.constant 0 : i32
      %dma_wait3A_713 = tpu.memref_slice %arg2[%add3A, %dma_wait3A_711, %dma_wait3A_712] : memref<32x50x128xi32, #tpu.memory_space<hbm>> -> memref<1x50x128xi32, #tpu.memory_space<hbm>>
      %dma_wait3A_714 = tpu.memref_squeeze %dma_wait3A_713 : memref<1x50x128xi32, #tpu.memory_space<hbm>> -> memref<50x128xi32, #tpu.memory_space<hbm>>
      tpu.wait_dma2 semaphore(%run_scoped3A : memref<!tpu.dma_semaphore, #tpu.memory_space<semaphore_mem>>) src(%dma_wait3A_714 : memref<50x128xi32, #tpu.memory_space<hbm>>) dst(%arg5 : memref<50x128xi32, #tpu.memory_space<vmem>>)
      tpu.yield
    }) : () -> ()
    %dma_start3A = arith.constant 0 : i32
    %dma_start3A_1 = arith.constant 0 : i32
    %dma_start3A_2 = arith.constant 0 : i32
    %dma_start3A_3 = tpu.memref_slice %arg6[%dma_start3A_1, %dma_start3A_2] : memref<640x64xf32, #tpu.memory_space<vmem>> -> memref<128x64xf32, #tpu.memory_space<vmem>>
    %dma_start3A_4 = arith.constant 0 : i32
    %dma_start3A_5 = tpu.memref_slice %arg5[%dma_start3A, %dma_start3A_4] : memref<50x128xi32, #tpu.memory_space<vmem>> -> memref<1x128xi32, #tpu.memory_space<vmem>>
    %dma_start3A_6 = tpu.memref_squeeze %dma_start3A_5 : memref<1x128xi32, #tpu.memory_space<vmem>> -> memref<128xi32, #tpu.memory_space<vmem>>
    %dma_start3A_7 = arith.constant 0 : i32
    %dma_start3A_8 = arith.constant 0 : i32
    %dma_start3A_9 = tpu.memref_slice %arg3[%dma_start3A_7, %dma_start3A_8] : memref<1000000x64xf32, #tpu.memory_space<hbm>> -> memref<1000000x64xf32, #tpu.memory_space<hbm>>
    tpu.enqueue_indirect_dma source(%dma_start3A_9 : memref<1000000x64xf32, #tpu.memory_space<hbm>>) target(%dma_start3A_3 : memref<128x64xf32, #tpu.memory_space<vmem>>) offsets(%dma_start3A_6 : memref<128xi32, #tpu.memory_space<vmem>>) semaphore(%arg8 : memref<!tpu.dma_semaphore, #tpu.memory_space<semaphore_mem>>)
    %dma_start3A_10 = arith.constant 1 : i32
    %dma_start3A_11 = arith.constant 128 : i32
    %dma_start3A_12 = arith.constant 0 : i32
    %dma_start3A_13 = tpu.memref_slice %arg6[%dma_start3A_11, %dma_start3A_12] : memref<640x64xf32, #tpu.memory_space<vmem>> -> memref<128x64xf32, #tpu.memory_space<vmem>>
    %dma_start3A_14 = arith.constant 0 : i32
    %dma_start3A_15 = tpu.memref_slice %arg5[%dma_start3A_10, %dma_start3A_14] : memref<50x128xi32, #tpu.memory_space<vmem>> -> memref<1x128xi32, #tpu.memory_space<vmem>>
    %dma_start3A_16 = tpu.memref_squeeze %dma_start3A_15 : memref<1x128xi32, #tpu.memory_space<vmem>> -> memref<128xi32, #tpu.memory_space<vmem>>
    %dma_start3A_17 = arith.constant 0 : i32
    %dma_start3A_18 = arith.constant 0 : i32
    %dma_start3A_19 = tpu.memref_slice %arg3[%dma_start3A_17, %dma_start3A_18] : memref<1000000x64xf32, #tpu.memory_space<hbm>> -> memref<1000000x64xf32, #tpu.memory_space<hbm>>
    tpu.enqueue_indirect_dma source(%dma_start3A_19 : memref<1000000x64xf32, #tpu.memory_space<hbm>>) target(%dma_start3A_13 : memref<128x64xf32, #tpu.memory_space<vmem>>) offsets(%dma_start3A_16 : memref<128xi32, #tpu.memory_space<vmem>>) semaphore(%arg8 : memref<!tpu.dma_semaphore, #tpu.memory_space<semaphore_mem>>)
    %dma_start3A_20 = arith.constant 2 : i32
    %dma_start3A_21 = arith.constant 256 : i32
    %dma_start3A_22 = arith.constant 0 : i32
    %dma_start3A_23 = tpu.memref_slice %arg6[%dma_start3A_21, %dma_start3A_22] : memref<640x64xf32, #tpu.memory_space<vmem>> -> memref<128x64xf32, #tpu.memory_space<vmem>>
    %dma_start3A_24 = arith.constant 0 : i32
    %dma_start3A_25 = tpu.memref_slice %arg5[%dma_start3A_20, %dma_start3A_24] : memref<50x128xi32, #tpu.memory_space<vmem>> -> memref<1x128xi32, #tpu.memory_space<vmem>>
    %dma_start3A_26 = tpu.memref_squeeze %dma_start3A_25 : memref<1x128xi32, #tpu.memory_space<vmem>> -> memref<128xi32, #tpu.memory_space<vmem>>
    %dma_start3A_27 = arith.constant 0 : i32
    %dma_start3A_28 = arith.constant 0 : i32
    %dma_start3A_29 = tpu.memref_slice %arg3[%dma_start3A_27, %dma_start3A_28] : memref<1000000x64xf32, #tpu.memory_space<hbm>> -> memref<1000000x64xf32, #tpu.memory_space<hbm>>
    tpu.enqueue_indirect_dma source(%dma_start3A_29 : memref<1000000x64xf32, #tpu.memory_space<hbm>>) target(%dma_start3A_23 : memref<128x64xf32, #tpu.memory_space<vmem>>) offsets(%dma_start3A_26 : memref<128xi32, #tpu.memory_space<vmem>>) semaphore(%arg8 : memref<!tpu.dma_semaphore, #tpu.memory_space<semaphore_mem>>)
    %dma_start3A_30 = arith.constant 3 : i32
    %dma_start3A_31 = arith.constant 384 : i32
    %dma_start3A_32 = arith.constant 0 : i32
    %dma_start3A_33 = tpu.memref_slice %arg6[%dma_start3A_31, %dma_start3A_32] : memref<640x64xf32, #tpu.memory_space<vmem>> -> memref<128x64xf32, #tpu.memory_space<vmem>>
    %dma_start3A_34 = arith.constant 0 : i32
    %dma_start3A_35 = tpu.memref_slice %arg5[%dma_start3A_30, %dma_start3A_34] : memref<50x128xi32, #tpu.memory_space<vmem>> -> memref<1x128xi32, #tpu.memory_space<vmem>>
    %dma_start3A_36 = tpu.memref_squeeze %dma_start3A_35 : memref<1x128xi32, #tpu.memory_space<vmem>> -> memref<128xi32, #tpu.memory_space<vmem>>
    %dma_start3A_37 = arith.constant 0 : i32
    %dma_start3A_38 = arith.constant 0 : i32
    %dma_start3A_39 = tpu.memref_slice %arg3[%dma_start3A_37, %dma_start3A_38] : memref<1000000x64xf32, #tpu.memory_space<hbm>> -> memref<1000000x64xf32, #tpu.memory_space<hbm>>
    tpu.enqueue_indirect_dma source(%dma_start3A_39 : memref<1000000x64xf32, #tpu.memory_space<hbm>>) target(%dma_start3A_33 : memref<128x64xf32, #tpu.memory_space<vmem>>) offsets(%dma_start3A_36 : memref<128xi32, #tpu.memory_space<vmem>>) semaphore(%arg8 : memref<!tpu.dma_semaphore, #tpu.memory_space<semaphore_mem>>)
    %dma_start3A_40 = arith.constant 4 : i32
    %dma_start3A_41 = arith.constant 512 : i32
    %dma_start3A_42 = arith.constant 0 : i32
    %dma_start3A_43 = tpu.memref_slice %arg6[%dma_start3A_41, %dma_start3A_42] : memref<640x64xf32, #tpu.memory_space<vmem>> -> memref<128x64xf32, #tpu.memory_space<vmem>>
    %dma_start3A_44 = arith.constant 0 : i32
    %dma_start3A_45 = tpu.memref_slice %arg5[%dma_start3A_40, %dma_start3A_44] : memref<50x128xi32, #tpu.memory_space<vmem>> -> memref<1x128xi32, #tpu.memory_space<vmem>>
    %dma_start3A_46 = tpu.memref_squeeze %dma_start3A_45 : memref<1x128xi32, #tpu.memory_space<vmem>> -> memref<128xi32, #tpu.memory_space<vmem>>
    %dma_start3A_47 = arith.constant 0 : i32
    %dma_start3A_48 = arith.constant 0 : i32
    %dma_start3A_49 = tpu.memref_slice %arg3[%dma_start3A_47, %dma_start3A_48] : memref<1000000x64xf32, #tpu.memory_space<hbm>> -> memref<1000000x64xf32, #tpu.memory_space<hbm>>
    tpu.enqueue_indirect_dma source(%dma_start3A_49 : memref<1000000x64xf32, #tpu.memory_space<hbm>>) target(%dma_start3A_43 : memref<128x64xf32, #tpu.memory_space<vmem>>) offsets(%dma_start3A_46 : memref<128xi32, #tpu.memory_space<vmem>>) semaphore(%arg8 : memref<!tpu.dma_semaphore, #tpu.memory_space<semaphore_mem>>)
    %dma_start3A_50 = arith.constant 5 : i32
    %dma_start3A_51 = arith.constant 0 : i32
    %dma_start3A_52 = arith.constant 0 : i32
    %dma_start3A_53 = tpu.memref_slice %arg7[%dma_start3A_51, %dma_start3A_52] : memref<640x64xf32, #tpu.memory_space<vmem>> -> memref<128x64xf32, #tpu.memory_space<vmem>>
    %dma_start3A_54 = arith.constant 0 : i32
    %dma_start3A_55 = tpu.memref_slice %arg5[%dma_start3A_50, %dma_start3A_54] : memref<50x128xi32, #tpu.memory_space<vmem>> -> memref<1x128xi32, #tpu.memory_space<vmem>>
    %dma_start3A_56 = tpu.memref_squeeze %dma_start3A_55 : memref<1x128xi32, #tpu.memory_space<vmem>> -> memref<128xi32, #tpu.memory_space<vmem>>
    %dma_start3A_57 = arith.constant 0 : i32
    %dma_start3A_58 = arith.constant 0 : i32
    %dma_start3A_59 = tpu.memref_slice %arg3[%dma_start3A_57, %dma_start3A_58] : memref<1000000x64xf32, #tpu.memory_space<hbm>> -> memref<1000000x64xf32, #tpu.memory_space<hbm>>
    tpu.enqueue_indirect_dma source(%dma_start3A_59 : memref<1000000x64xf32, #tpu.memory_space<hbm>>) target(%dma_start3A_53 : memref<128x64xf32, #tpu.memory_space<vmem>>) offsets(%dma_start3A_56 : memref<128xi32, #tpu.memory_space<vmem>>) semaphore(%arg8 : memref<!tpu.dma_semaphore, #tpu.memory_space<semaphore_mem>>)
    %dma_start3A_60 = arith.constant 6 : i32
    %dma_start3A_61 = arith.constant 128 : i32
    %dma_start3A_62 = arith.constant 0 : i32
    %dma_start3A_63 = tpu.memref_slice %arg7[%dma_start3A_61, %dma_start3A_62] : memref<640x64xf32, #tpu.memory_space<vmem>> -> memref<128x64xf32, #tpu.memory_space<vmem>>
    %dma_start3A_64 = arith.constant 0 : i32
    %dma_start3A_65 = tpu.memref_slice %arg5[%dma_start3A_60, %dma_start3A_64] : memref<50x128xi32, #tpu.memory_space<vmem>> -> memref<1x128xi32, #tpu.memory_space<vmem>>
    %dma_start3A_66 = tpu.memref_squeeze %dma_start3A_65 : memref<1x128xi32, #tpu.memory_space<vmem>> -> memref<128xi32, #tpu.memory_space<vmem>>
    %dma_start3A_67 = arith.constant 0 : i32
    %dma_start3A_68 = arith.constant 0 : i32
    %dma_start3A_69 = tpu.memref_slice %arg3[%dma_start3A_67, %dma_start3A_68] : memref<1000000x64xf32, #tpu.memory_space<hbm>> -> memref<1000000x64xf32, #tpu.memory_space<hbm>>
    tpu.enqueue_indirect_dma source(%dma_start3A_69 : memref<1000000x64xf32, #tpu.memory_space<hbm>>) target(%dma_start3A_63 : memref<128x64xf32, #tpu.memory_space<vmem>>) offsets(%dma_start3A_66 : memref<128xi32, #tpu.memory_space<vmem>>) semaphore(%arg8 : memref<!tpu.dma_semaphore, #tpu.memory_space<semaphore_mem>>)
    %dma_start3A_70 = arith.constant 7 : i32
    %dma_start3A_71 = arith.constant 256 : i32
    %dma_start3A_72 = arith.constant 0 : i32
    %dma_start3A_73 = tpu.memref_slice %arg7[%dma_start3A_71, %dma_start3A_72] : memref<640x64xf32, #tpu.memory_space<vmem>> -> memref<128x64xf32, #tpu.memory_space<vmem>>
    %dma_start3A_74 = arith.constant 0 : i32
    %dma_start3A_75 = tpu.memref_slice %arg5[%dma_start3A_70, %dma_start3A_74] : memref<50x128xi32, #tpu.memory_space<vmem>> -> memref<1x128xi32, #tpu.memory_space<vmem>>
    %dma_start3A_76 = tpu.memref_squeeze %dma_start3A_75 : memref<1x128xi32, #tpu.memory_space<vmem>> -> memref<128xi32, #tpu.memory_space<vmem>>
    %dma_start3A_77 = arith.constant 0 : i32
    %dma_start3A_78 = arith.constant 0 : i32
    %dma_start3A_79 = tpu.memref_slice %arg3[%dma_start3A_77, %dma_start3A_78] : memref<1000000x64xf32, #tpu.memory_space<hbm>> -> memref<1000000x64xf32, #tpu.memory_space<hbm>>
    tpu.enqueue_indirect_dma source(%dma_start3A_79 : memref<1000000x64xf32, #tpu.memory_space<hbm>>) target(%dma_start3A_73 : memref<128x64xf32, #tpu.memory_space<vmem>>) offsets(%dma_start3A_76 : memref<128xi32, #tpu.memory_space<vmem>>) semaphore(%arg8 : memref<!tpu.dma_semaphore, #tpu.memory_space<semaphore_mem>>)
    %dma_start3A_80 = arith.constant 8 : i32
    %dma_start3A_81 = arith.constant 384 : i32
    %dma_start3A_82 = arith.constant 0 : i32
    %dma_start3A_83 = tpu.memref_slice %arg7[%dma_start3A_81, %dma_start3A_82] : memref<640x64xf32, #tpu.memory_space<vmem>> -> memref<128x64xf32, #tpu.memory_space<vmem>>
    %dma_start3A_84 = arith.constant 0 : i32
    %dma_start3A_85 = tpu.memref_slice %arg5[%dma_start3A_80, %dma_start3A_84] : memref<50x128xi32, #tpu.memory_space<vmem>> -> memref<1x128xi32, #tpu.memory_space<vmem>>
    %dma_start3A_86 = tpu.memref_squeeze %dma_start3A_85 : memref<1x128xi32, #tpu.memory_space<vmem>> -> memref<128xi32, #tpu.memory_space<vmem>>
    %dma_start3A_87 = arith.constant 0 : i32
    %dma_start3A_88 = arith.constant 0 : i32
    %dma_start3A_89 = tpu.memref_slice %arg3[%dma_start3A_87, %dma_start3A_88] : memref<1000000x64xf32, #tpu.memory_space<hbm>> -> memref<1000000x64xf32, #tpu.memory_space<hbm>>
    tpu.enqueue_indirect_dma source(%dma_start3A_89 : memref<1000000x64xf32, #tpu.memory_space<hbm>>) target(%dma_start3A_83 : memref<128x64xf32, #tpu.memory_space<vmem>>) offsets(%dma_start3A_86 : memref<128xi32, #tpu.memory_space<vmem>>) semaphore(%arg8 : memref<!tpu.dma_semaphore, #tpu.memory_space<semaphore_mem>>)
    %dma_start3A_90 = arith.constant 9 : i32
    %dma_start3A_91 = arith.constant 512 : i32
    %dma_start3A_92 = arith.constant 0 : i32
    %dma_start3A_93 = tpu.memref_slice %arg7[%dma_start3A_91, %dma_start3A_92] : memref<640x64xf32, #tpu.memory_space<vmem>> -> memref<128x64xf32, #tpu.memory_space<vmem>>
    %dma_start3A_94 = arith.constant 0 : i32
    %dma_start3A_95 = tpu.memref_slice %arg5[%dma_start3A_90, %dma_start3A_94] : memref<50x128xi32, #tpu.memory_space<vmem>> -> memref<1x128xi32, #tpu.memory_space<vmem>>
    %dma_start3A_96 = tpu.memref_squeeze %dma_start3A_95 : memref<1x128xi32, #tpu.memory_space<vmem>> -> memref<128xi32, #tpu.memory_space<vmem>>
    %dma_start3A_97 = arith.constant 0 : i32
    %dma_start3A_98 = arith.constant 0 : i32
    %dma_start3A_99 = tpu.memref_slice %arg3[%dma_start3A_97, %dma_start3A_98] : memref<1000000x64xf32, #tpu.memory_space<hbm>> -> memref<1000000x64xf32, #tpu.memory_space<hbm>>
    tpu.enqueue_indirect_dma source(%dma_start3A_99 : memref<1000000x64xf32, #tpu.memory_space<hbm>>) target(%dma_start3A_93 : memref<128x64xf32, #tpu.memory_space<vmem>>) offsets(%dma_start3A_96 : memref<128xi32, #tpu.memory_space<vmem>>) semaphore(%arg8 : memref<!tpu.dma_semaphore, #tpu.memory_space<semaphore_mem>>)
    %dma_wait3A = arith.constant 0 : i32
    %dma_wait3A_100 = arith.constant 0 : i32
    %dma_wait3A_101 = tpu.memref_slice %arg3[%dma_wait3A, %dma_wait3A_100] : memref<1000000x64xf32, #tpu.memory_space<hbm>> -> memref<640x64xf32, #tpu.memory_space<hbm>>
    %dma_wait3A_102 = arith.constant 0 : i32
    %dma_wait3A_103 = arith.constant 0 : i32
    %dma_wait3A_104 = tpu.memref_slice %arg3[%dma_wait3A_102, %dma_wait3A_103] : memref<1000000x64xf32, #tpu.memory_space<hbm>> -> memref<640x64xf32, #tpu.memory_space<hbm>>
    tpu.wait_dma2 semaphore(%arg8 : memref<!tpu.dma_semaphore, #tpu.memory_space<semaphore_mem>>) src(%dma_wait3A_104 : memref<640x64xf32, #tpu.memory_space<hbm>>) dst(%arg6 : memref<640x64xf32, #tpu.memory_space<vmem>>)
    %mul3A_105 = arith.constant 6400 : i32
    %mul3A_106 = arith.muli %add3A, %mul3A_105 : i32
    %add3A_107 = arith.constant 0 : i32
    %add3A_108 = arith.addi %mul3A_106, %add3A_107 : i32
    %dma_start3A_109 = arith.constant 0 : i32
    %dma_start3A_110 = tpu.memref_slice %arg4[%add3A_108, %dma_start3A_109] : memref<204800x128xf32, #tpu.memory_space<hbm>> -> memref<640x64xf32, #tpu.memory_space<hbm>>
    %dma_start3A_111 = arith.constant 0 : i32
    %dma_start3A_112 = tpu.memref_slice %arg4[%add3A_108, %dma_start3A_111] : memref<204800x128xf32, #tpu.memory_space<hbm>> -> memref<640x64xf32, #tpu.memory_space<hbm>>
    tpu.enqueue_dma source(%arg6 : memref<640x64xf32, #tpu.memory_space<vmem>>) target(%dma_start3A_112 : memref<640x64xf32, #tpu.memory_space<hbm>>) target_semaphore(%arg9 : memref<!tpu.dma_semaphore, #tpu.memory_space<semaphore_mem>>)
    %mul3A_113 = arith.constant 6400 : i32
    %mul3A_114 = arith.muli %add3A, %mul3A_113 : i32
    %dma_wait3A_115 = arith.constant 0 : i32
    %dma_wait3A_116 = tpu.memref_slice %arg4[%mul3A_114, %dma_wait3A_115] : memref<204800x128xf32, #tpu.memory_space<hbm>> -> memref<640x64xf32, #tpu.memory_space<hbm>>
    %dma_wait3A_117 = arith.constant 0 : i32
    %dma_wait3A_118 = tpu.memref_slice %arg4[%mul3A_114, %dma_wait3A_117] : memref<204800x128xf32, #tpu.memory_space<hbm>> -> memref<640x64xf32, #tpu.memory_space<hbm>>
    tpu.wait_dma2 semaphore(%arg9 : memref<!tpu.dma_semaphore, #tpu.memory_space<semaphore_mem>>) src(%arg6 : memref<640x64xf32, #tpu.memory_space<vmem>>) dst(%dma_wait3A_118 : memref<640x64xf32, #tpu.memory_space<hbm>>)
    %dma_start3A_119 = arith.constant 10 : i32
    %dma_start3A_120 = arith.constant 0 : i32
    %dma_start3A_121 = arith.constant 0 : i32
    %dma_start3A_122 = tpu.memref_slice %arg6[%dma_start3A_120, %dma_start3A_121] : memref<640x64xf32, #tpu.memory_space<vmem>> -> memref<128x64xf32, #tpu.memory_space<vmem>>
    %dma_start3A_123 = arith.constant 0 : i32
    %dma_start3A_124 = tpu.memref_slice %arg5[%dma_start3A_119, %dma_start3A_123] : memref<50x128xi32, #tpu.memory_space<vmem>> -> memref<1x128xi32, #tpu.memory_space<vmem>>
    %dma_start3A_125 = tpu.memref_squeeze %dma_start3A_124 : memref<1x128xi32, #tpu.memory_space<vmem>> -> memref<128xi32, #tpu.memory_space<vmem>>
    %dma_start3A_126 = arith.constant 0 : i32
    %dma_start3A_127 = arith.constant 0 : i32
    %dma_start3A_128 = tpu.memref_slice %arg3[%dma_start3A_126, %dma_start3A_127] : memref<1000000x64xf32, #tpu.memory_space<hbm>> -> memref<1000000x64xf32, #tpu.memory_space<hbm>>
    tpu.enqueue_indirect_dma source(%dma_start3A_128 : memref<1000000x64xf32, #tpu.memory_space<hbm>>) target(%dma_start3A_122 : memref<128x64xf32, #tpu.memory_space<vmem>>) offsets(%dma_start3A_125 : memref<128xi32, #tpu.memory_space<vmem>>) semaphore(%arg8 : memref<!tpu.dma_semaphore, #tpu.memory_space<semaphore_mem>>)
    %dma_start3A_129 = arith.constant 11 : i32
    %dma_start3A_130 = arith.constant 128 : i32
    %dma_start3A_131 = arith.constant 0 : i32
    %dma_start3A_132 = tpu.memref_slice %arg6[%dma_start3A_130, %dma_start3A_131] : memref<640x64xf32, #tpu.memory_space<vmem>> -> memref<128x64xf32, #tpu.memory_space<vmem>>
    %dma_start3A_133 = arith.constant 0 : i32
    %dma_start3A_134 = tpu.memref_slice %arg5[%dma_start3A_129, %dma_start3A_133] : memref<50x128xi32, #tpu.memory_space<vmem>> -> memref<1x128xi32, #tpu.memory_space<vmem>>
    %dma_start3A_135 = tpu.memref_squeeze %dma_start3A_134 : memref<1x128xi32, #tpu.memory_space<vmem>> -> memref<128xi32, #tpu.memory_space<vmem>>
    %dma_start3A_136 = arith.constant 0 : i32
    %dma_start3A_137 = arith.constant 0 : i32
    %dma_start3A_138 = tpu.memref_slice %arg3[%dma_start3A_136, %dma_start3A_137] : memref<1000000x64xf32, #tpu.memory_space<hbm>> -> memref<1000000x64xf32, #tpu.memory_space<hbm>>
    tpu.enqueue_indirect_dma source(%dma_start3A_138 : memref<1000000x64xf32, #tpu.memory_space<hbm>>) target(%dma_start3A_132 : memref<128x64xf32, #tpu.memory_space<vmem>>) offsets(%dma_start3A_135 : memref<128xi32, #tpu.memory_space<vmem>>) semaphore(%arg8 : memref<!tpu.dma_semaphore, #tpu.memory_space<semaphore_mem>>)
    %dma_start3A_139 = arith.constant 12 : i32
    %dma_start3A_140 = arith.constant 256 : i32
    %dma_start3A_141 = arith.constant 0 : i32
    %dma_start3A_142 = tpu.memref_slice %arg6[%dma_start3A_140, %dma_start3A_141] : memref<640x64xf32, #tpu.memory_space<vmem>> -> memref<128x64xf32, #tpu.memory_space<vmem>>
    %dma_start3A_143 = arith.constant 0 : i32
    %dma_start3A_144 = tpu.memref_slice %arg5[%dma_start3A_139, %dma_start3A_143] : memref<50x128xi32, #tpu.memory_space<vmem>> -> memref<1x128xi32, #tpu.memory_space<vmem>>
    %dma_start3A_145 = tpu.memref_squeeze %dma_start3A_144 : memref<1x128xi32, #tpu.memory_space<vmem>> -> memref<128xi32, #tpu.memory_space<vmem>>
    %dma_start3A_146 = arith.constant 0 : i32
    %dma_start3A_147 = arith.constant 0 : i32
    %dma_start3A_148 = tpu.memref_slice %arg3[%dma_start3A_146, %dma_start3A_147] : memref<1000000x64xf32, #tpu.memory_space<hbm>> -> memref<1000000x64xf32, #tpu.memory_space<hbm>>
    tpu.enqueue_indirect_dma source(%dma_start3A_148 : memref<1000000x64xf32, #tpu.memory_space<hbm>>) target(%dma_start3A_142 : memref<128x64xf32, #tpu.memory_space<vmem>>) offsets(%dma_start3A_145 : memref<128xi32, #tpu.memory_space<vmem>>) semaphore(%arg8 : memref<!tpu.dma_semaphore, #tpu.memory_space<semaphore_mem>>)
    %dma_start3A_149 = arith.constant 13 : i32
    %dma_start3A_150 = arith.constant 384 : i32
    %dma_start3A_151 = arith.constant 0 : i32
    %dma_start3A_152 = tpu.memref_slice %arg6[%dma_start3A_150, %dma_start3A_151] : memref<640x64xf32, #tpu.memory_space<vmem>> -> memref<128x64xf32, #tpu.memory_space<vmem>>
    %dma_start3A_153 = arith.constant 0 : i32
    %dma_start3A_154 = tpu.memref_slice %arg5[%dma_start3A_149, %dma_start3A_153] : memref<50x128xi32, #tpu.memory_space<vmem>> -> memref<1x128xi32, #tpu.memory_space<vmem>>
    %dma_start3A_155 = tpu.memref_squeeze %dma_start3A_154 : memref<1x128xi32, #tpu.memory_space<vmem>> -> memref<128xi32, #tpu.memory_space<vmem>>
    %dma_start3A_156 = arith.constant 0 : i32
    %dma_start3A_157 = arith.constant 0 : i32
    %dma_start3A_158 = tpu.memref_slice %arg3[%dma_start3A_156, %dma_start3A_157] : memref<1000000x64xf32, #tpu.memory_space<hbm>> -> memref<1000000x64xf32, #tpu.memory_space<hbm>>
    tpu.enqueue_indirect_dma source(%dma_start3A_158 : memref<1000000x64xf32, #tpu.memory_space<hbm>>) target(%dma_start3A_152 : memref<128x64xf32, #tpu.memory_space<vmem>>) offsets(%dma_start3A_155 : memref<128xi32, #tpu.memory_space<vmem>>) semaphore(%arg8 : memref<!tpu.dma_semaphore, #tpu.memory_space<semaphore_mem>>)
    %dma_start3A_159 = arith.constant 14 : i32
    %dma_start3A_160 = arith.constant 512 : i32
    %dma_start3A_161 = arith.constant 0 : i32
    %dma_start3A_162 = tpu.memref_slice %arg6[%dma_start3A_160, %dma_start3A_161] : memref<640x64xf32, #tpu.memory_space<vmem>> -> memref<128x64xf32, #tpu.memory_space<vmem>>
    %dma_start3A_163 = arith.constant 0 : i32
    %dma_start3A_164 = tpu.memref_slice %arg5[%dma_start3A_159, %dma_start3A_163] : memref<50x128xi32, #tpu.memory_space<vmem>> -> memref<1x128xi32, #tpu.memory_space<vmem>>
    %dma_start3A_165 = tpu.memref_squeeze %dma_start3A_164 : memref<1x128xi32, #tpu.memory_space<vmem>> -> memref<128xi32, #tpu.memory_space<vmem>>
    %dma_start3A_166 = arith.constant 0 : i32
    %dma_start3A_167 = arith.constant 0 : i32
    %dma_start3A_168 = tpu.memref_slice %arg3[%dma_start3A_166, %dma_start3A_167] : memref<1000000x64xf32, #tpu.memory_space<hbm>> -> memref<1000000x64xf32, #tpu.memory_space<hbm>>
    tpu.enqueue_indirect_dma source(%dma_start3A_168 : memref<1000000x64xf32, #tpu.memory_space<hbm>>) target(%dma_start3A_162 : memref<128x64xf32, #tpu.memory_space<vmem>>) offsets(%dma_start3A_165 : memref<128xi32, #tpu.memory_space<vmem>>) semaphore(%arg8 : memref<!tpu.dma_semaphore, #tpu.memory_space<semaphore_mem>>)
    %dma_wait3A_169 = arith.constant 0 : i32
    %dma_wait3A_170 = arith.constant 0 : i32
    %dma_wait3A_171 = tpu.memref_slice %arg3[%dma_wait3A_169, %dma_wait3A_170] : memref<1000000x64xf32, #tpu.memory_space<hbm>> -> memref<640x64xf32, #tpu.memory_space<hbm>>
    %dma_wait3A_172 = arith.constant 0 : i32
    %dma_wait3A_173 = arith.constant 0 : i32
    %dma_wait3A_174 = tpu.memref_slice %arg3[%dma_wait3A_172, %dma_wait3A_173] : memref<1000000x64xf32, #tpu.memory_space<hbm>> -> memref<640x64xf32, #tpu.memory_space<hbm>>
    tpu.wait_dma2 semaphore(%arg8 : memref<!tpu.dma_semaphore, #tpu.memory_space<semaphore_mem>>) src(%dma_wait3A_174 : memref<640x64xf32, #tpu.memory_space<hbm>>) dst(%arg7 : memref<640x64xf32, #tpu.memory_space<vmem>>)
    %mul3A_175 = arith.constant 6400 : i32
    %mul3A_176 = arith.muli %add3A, %mul3A_175 : i32
    %add3A_177 = arith.constant 640 : i32
    %add3A_178 = arith.addi %mul3A_176, %add3A_177 : i32
    %dma_start3A_179 = arith.constant 0 : i32
    %dma_start3A_180 = tpu.memref_slice %arg4[%add3A_178, %dma_start3A_179] : memref<204800x128xf32, #tpu.memory_space<hbm>> -> memref<640x64xf32, #tpu.memory_space<hbm>>
    %dma_start3A_181 = arith.constant 0 : i32
    %dma_start3A_182 = tpu.memref_slice %arg4[%add3A_178, %dma_start3A_181] : memref<204800x128xf32, #tpu.memory_space<hbm>> -> memref<640x64xf32, #tpu.memory_space<hbm>>
    tpu.enqueue_dma source(%arg7 : memref<640x64xf32, #tpu.memory_space<vmem>>) target(%dma_start3A_182 : memref<640x64xf32, #tpu.memory_space<hbm>>) target_semaphore(%arg9 : memref<!tpu.dma_semaphore, #tpu.memory_space<semaphore_mem>>)
    %mul3A_183 = arith.constant 6400 : i32
    %mul3A_184 = arith.muli %add3A, %mul3A_183 : i32
    %dma_wait3A_185 = arith.constant 0 : i32
    %dma_wait3A_186 = tpu.memref_slice %arg4[%mul3A_184, %dma_wait3A_185] : memref<204800x128xf32, #tpu.memory_space<hbm>> -> memref<640x64xf32, #tpu.memory_space<hbm>>
    %dma_wait3A_187 = arith.constant 0 : i32
    %dma_wait3A_188 = tpu.memref_slice %arg4[%mul3A_184, %dma_wait3A_187] : memref<204800x128xf32, #tpu.memory_space<hbm>> -> memref<640x64xf32, #tpu.memory_space<hbm>>
    tpu.wait_dma2 semaphore(%arg9 : memref<!tpu.dma_semaphore, #tpu.memory_space<semaphore_mem>>) src(%arg7 : memref<640x64xf32, #tpu.memory_space<vmem>>) dst(%dma_wait3A_188 : memref<640x64xf32, #tpu.memory_space<hbm>>)
    %dma_start3A_189 = arith.constant 15 : i32
    %dma_start3A_190 = arith.constant 0 : i32
    %dma_start3A_191 = arith.constant 0 : i32
    %dma_start3A_192 = tpu.memref_slice %arg7[%dma_start3A_190, %dma_start3A_191] : memref<640x64xf32, #tpu.memory_space<vmem>> -> memref<128x64xf32, #tpu.memory_space<vmem>>
    %dma_start3A_193 = arith.constant 0 : i32
    %dma_start3A_194 = tpu.memref_slice %arg5[%dma_start3A_189, %dma_start3A_193] : memref<50x128xi32, #tpu.memory_space<vmem>> -> memref<1x128xi32, #tpu.memory_space<vmem>>
    %dma_start3A_195 = tpu.memref_squeeze %dma_start3A_194 : memref<1x128xi32, #tpu.memory_space<vmem>> -> memref<128xi32, #tpu.memory_space<vmem>>
    %dma_start3A_196 = arith.constant 0 : i32
    %dma_start3A_197 = arith.constant 0 : i32
    %dma_start3A_198 = tpu.memref_slice %arg3[%dma_start3A_196, %dma_start3A_197] : memref<1000000x64xf32, #tpu.memory_space<hbm>> -> memref<1000000x64xf32, #tpu.memory_space<hbm>>
    tpu.enqueue_indirect_dma source(%dma_start3A_198 : memref<1000000x64xf32, #tpu.memory_space<hbm>>) target(%dma_start3A_192 : memref<128x64xf32, #tpu.memory_space<vmem>>) offsets(%dma_start3A_195 : memref<128xi32, #tpu.memory_space<vmem>>) semaphore(%arg8 : memref<!tpu.dma_semaphore, #tpu.memory_space<semaphore_mem>>)
    %dma_start3A_199 = arith.constant 16 : i32
    %dma_start3A_200 = arith.constant 128 : i32
    %dma_start3A_201 = arith.constant 0 : i32
    %dma_start3A_202 = tpu.memref_slice %arg7[%dma_start3A_200, %dma_start3A_201] : memref<640x64xf32, #tpu.memory_space<vmem>> -> memref<128x64xf32, #tpu.memory_space<vmem>>
    %dma_start3A_203 = arith.constant 0 : i32
    %dma_start3A_204 = tpu.memref_slice %arg5[%dma_start3A_199, %dma_start3A_203] : memref<50x128xi32, #tpu.memory_space<vmem>> -> memref<1x128xi32, #tpu.memory_space<vmem>>
    %dma_start3A_205 = tpu.memref_squeeze %dma_start3A_204 : memref<1x128xi32, #tpu.memory_space<vmem>> -> memref<128xi32, #tpu.memory_space<vmem>>
    %dma_start3A_206 = arith.constant 0 : i32
    %dma_start3A_207 = arith.constant 0 : i32
    %dma_start3A_208 = tpu.memref_slice %arg3[%dma_start3A_206, %dma_start3A_207] : memref<1000000x64xf32, #tpu.memory_space<hbm>> -> memref<1000000x64xf32, #tpu.memory_space<hbm>>
    tpu.enqueue_indirect_dma source(%dma_start3A_208 : memref<1000000x64xf32, #tpu.memory_space<hbm>>) target(%dma_start3A_202 : memref<128x64xf32, #tpu.memory_space<vmem>>) offsets(%dma_start3A_205 : memref<128xi32, #tpu.memory_space<vmem>>) semaphore(%arg8 : memref<!tpu.dma_semaphore, #tpu.memory_space<semaphore_mem>>)
    %dma_start3A_209 = arith.constant 17 : i32
    %dma_start3A_210 = arith.constant 256 : i32
    %dma_start3A_211 = arith.constant 0 : i32
    %dma_start3A_212 = tpu.memref_slice %arg7[%dma_start3A_210, %dma_start3A_211] : memref<640x64xf32, #tpu.memory_space<vmem>> -> memref<128x64xf32, #tpu.memory_space<vmem>>
    %dma_start3A_213 = arith.constant 0 : i32
    %dma_start3A_214 = tpu.memref_slice %arg5[%dma_start3A_209, %dma_start3A_213] : memref<50x128xi32, #tpu.memory_space<vmem>> -> memref<1x128xi32, #tpu.memory_space<vmem>>
    %dma_start3A_215 = tpu.memref_squeeze %dma_start3A_214 : memref<1x128xi32, #tpu.memory_space<vmem>> -> memref<128xi32, #tpu.memory_space<vmem>>
    %dma_start3A_216 = arith.constant 0 : i32
    %dma_start3A_217 = arith.constant 0 : i32
    %dma_start3A_218 = tpu.memref_slice %arg3[%dma_start3A_216, %dma_start3A_217] : memref<1000000x64xf32, #tpu.memory_space<hbm>> -> memref<1000000x64xf32, #tpu.memory_space<hbm>>
    tpu.enqueue_indirect_dma source(%dma_start3A_218 : memref<1000000x64xf32, #tpu.memory_space<hbm>>) target(%dma_start3A_212 : memref<128x64xf32, #tpu.memory_space<vmem>>) offsets(%dma_start3A_215 : memref<128xi32, #tpu.memory_space<vmem>>) semaphore(%arg8 : memref<!tpu.dma_semaphore, #tpu.memory_space<semaphore_mem>>)
    %dma_start3A_219 = arith.constant 18 : i32
    %dma_start3A_220 = arith.constant 384 : i32
    %dma_start3A_221 = arith.constant 0 : i32
    %dma_start3A_222 = tpu.memref_slice %arg7[%dma_start3A_220, %dma_start3A_221] : memref<640x64xf32, #tpu.memory_space<vmem>> -> memref<128x64xf32, #tpu.memory_space<vmem>>
    %dma_start3A_223 = arith.constant 0 : i32
    %dma_start3A_224 = tpu.memref_slice %arg5[%dma_start3A_219, %dma_start3A_223] : memref<50x128xi32, #tpu.memory_space<vmem>> -> memref<1x128xi32, #tpu.memory_space<vmem>>
    %dma_start3A_225 = tpu.memref_squeeze %dma_start3A_224 : memref<1x128xi32, #tpu.memory_space<vmem>> -> memref<128xi32, #tpu.memory_space<vmem>>
    %dma_start3A_226 = arith.constant 0 : i32
    %dma_start3A_227 = arith.constant 0 : i32
    %dma_start3A_228 = tpu.memref_slice %arg3[%dma_start3A_226, %dma_start3A_227] : memref<1000000x64xf32, #tpu.memory_space<hbm>> -> memref<1000000x64xf32, #tpu.memory_space<hbm>>
    tpu.enqueue_indirect_dma source(%dma_start3A_228 : memref<1000000x64xf32, #tpu.memory_space<hbm>>) target(%dma_start3A_222 : memref<128x64xf32, #tpu.memory_space<vmem>>) offsets(%dma_start3A_225 : memref<128xi32, #tpu.memory_space<vmem>>) semaphore(%arg8 : memref<!tpu.dma_semaphore, #tpu.memory_space<semaphore_mem>>)
    %dma_start3A_229 = arith.constant 19 : i32
    %dma_start3A_230 = arith.constant 512 : i32
    %dma_start3A_231 = arith.constant 0 : i32
    %dma_start3A_232 = tpu.memref_slice %arg7[%dma_start3A_230, %dma_start3A_231] : memref<640x64xf32, #tpu.memory_space<vmem>> -> memref<128x64xf32, #tpu.memory_space<vmem>>
    %dma_start3A_233 = arith.constant 0 : i32
    %dma_start3A_234 = tpu.memref_slice %arg5[%dma_start3A_229, %dma_start3A_233] : memref<50x128xi32, #tpu.memory_space<vmem>> -> memref<1x128xi32, #tpu.memory_space<vmem>>
    %dma_start3A_235 = tpu.memref_squeeze %dma_start3A_234 : memref<1x128xi32, #tpu.memory_space<vmem>> -> memref<128xi32, #tpu.memory_space<vmem>>
    %dma_start3A_236 = arith.constant 0 : i32
    %dma_start3A_237 = arith.constant 0 : i32
    %dma_start3A_238 = tpu.memref_slice %arg3[%dma_start3A_236, %dma_start3A_237] : memref<1000000x64xf32, #tpu.memory_space<hbm>> -> memref<1000000x64xf32, #tpu.memory_space<hbm>>
    tpu.enqueue_indirect_dma source(%dma_start3A_238 : memref<1000000x64xf32, #tpu.memory_space<hbm>>) target(%dma_start3A_232 : memref<128x64xf32, #tpu.memory_space<vmem>>) offsets(%dma_start3A_235 : memref<128xi32, #tpu.memory_space<vmem>>) semaphore(%arg8 : memref<!tpu.dma_semaphore, #tpu.memory_space<semaphore_mem>>)
    %dma_wait3A_239 = arith.constant 0 : i32
    %dma_wait3A_240 = arith.constant 0 : i32
    %dma_wait3A_241 = tpu.memref_slice %arg3[%dma_wait3A_239, %dma_wait3A_240] : memref<1000000x64xf32, #tpu.memory_space<hbm>> -> memref<640x64xf32, #tpu.memory_space<hbm>>
    %dma_wait3A_242 = arith.constant 0 : i32
    %dma_wait3A_243 = arith.constant 0 : i32
    %dma_wait3A_244 = tpu.memref_slice %arg3[%dma_wait3A_242, %dma_wait3A_243] : memref<1000000x64xf32, #tpu.memory_space<hbm>> -> memref<640x64xf32, #tpu.memory_space<hbm>>
    tpu.wait_dma2 semaphore(%arg8 : memref<!tpu.dma_semaphore, #tpu.memory_space<semaphore_mem>>) src(%dma_wait3A_244 : memref<640x64xf32, #tpu.memory_space<hbm>>) dst(%arg6 : memref<640x64xf32, #tpu.memory_space<vmem>>)
    %mul3A_245 = arith.constant 6400 : i32
    %mul3A_246 = arith.muli %add3A, %mul3A_245 : i32
    %add3A_247 = arith.constant 1280 : i32
    %add3A_248 = arith.addi %mul3A_246, %add3A_247 : i32
    %dma_start3A_249 = arith.constant 0 : i32
    %dma_start3A_250 = tpu.memref_slice %arg4[%add3A_248, %dma_start3A_249] : memref<204800x128xf32, #tpu.memory_space<hbm>> -> memref<640x64xf32, #tpu.memory_space<hbm>>
    %dma_start3A_251 = arith.constant 0 : i32
    %dma_start3A_252 = tpu.memref_slice %arg4[%add3A_248, %dma_start3A_251] : memref<204800x128xf32, #tpu.memory_space<hbm>> -> memref<640x64xf32, #tpu.memory_space<hbm>>
    tpu.enqueue_dma source(%arg6 : memref<640x64xf32, #tpu.memory_space<vmem>>) target(%dma_start3A_252 : memref<640x64xf32, #tpu.memory_space<hbm>>) target_semaphore(%arg9 : memref<!tpu.dma_semaphore, #tpu.memory_space<semaphore_mem>>)
    %mul3A_253 = arith.constant 6400 : i32
    %mul3A_254 = arith.muli %add3A, %mul3A_253 : i32
    %dma_wait3A_255 = arith.constant 0 : i32
    %dma_wait3A_256 = tpu.memref_slice %arg4[%mul3A_254, %dma_wait3A_255] : memref<204800x128xf32, #tpu.memory_space<hbm>> -> memref<640x64xf32, #tpu.memory_space<hbm>>
    %dma_wait3A_257 = arith.constant 0 : i32
    %dma_wait3A_258 = tpu.memref_slice %arg4[%mul3A_254, %dma_wait3A_257] : memref<204800x128xf32, #tpu.memory_space<hbm>> -> memref<640x64xf32, #tpu.memory_space<hbm>>
    tpu.wait_dma2 semaphore(%arg9 : memref<!tpu.dma_semaphore, #tpu.memory_space<semaphore_mem>>) src(%arg6 : memref<640x64xf32, #tpu.memory_space<vmem>>) dst(%dma_wait3A_258 : memref<640x64xf32, #tpu.memory_space<hbm>>)
    %dma_start3A_259 = arith.constant 20 : i32
    %dma_start3A_260 = arith.constant 0 : i32
    %dma_start3A_261 = arith.constant 0 : i32
    %dma_start3A_262 = tpu.memref_slice %arg6[%dma_start3A_260, %dma_start3A_261] : memref<640x64xf32, #tpu.memory_space<vmem>> -> memref<128x64xf32, #tpu.memory_space<vmem>>
    %dma_start3A_263 = arith.constant 0 : i32
    %dma_start3A_264 = tpu.memref_slice %arg5[%dma_start3A_259, %dma_start3A_263] : memref<50x128xi32, #tpu.memory_space<vmem>> -> memref<1x128xi32, #tpu.memory_space<vmem>>
    %dma_start3A_265 = tpu.memref_squeeze %dma_start3A_264 : memref<1x128xi32, #tpu.memory_space<vmem>> -> memref<128xi32, #tpu.memory_space<vmem>>
    %dma_start3A_266 = arith.constant 0 : i32
    %dma_start3A_267 = arith.constant 0 : i32
    %dma_start3A_268 = tpu.memref_slice %arg3[%dma_start3A_266, %dma_start3A_267] : memref<1000000x64xf32, #tpu.memory_space<hbm>> -> memref<1000000x64xf32, #tpu.memory_space<hbm>>
    tpu.enqueue_indirect_dma source(%dma_start3A_268 : memref<1000000x64xf32, #tpu.memory_space<hbm>>) target(%dma_start3A_262 : memref<128x64xf32, #tpu.memory_space<vmem>>) offsets(%dma_start3A_265 : memref<128xi32, #tpu.memory_space<vmem>>) semaphore(%arg8 : memref<!tpu.dma_semaphore, #tpu.memory_space<semaphore_mem>>)
    %dma_start3A_269 = arith.constant 21 : i32
    %dma_start3A_270 = arith.constant 128 : i32
    %dma_start3A_271 = arith.constant 0 : i32
    %dma_start3A_272 = tpu.memref_slice %arg6[%dma_start3A_270, %dma_start3A_271] : memref<640x64xf32, #tpu.memory_space<vmem>> -> memref<128x64xf32, #tpu.memory_space<vmem>>
    %dma_start3A_273 = arith.constant 0 : i32
    %dma_start3A_274 = tpu.memref_slice %arg5[%dma_start3A_269, %dma_start3A_273] : memref<50x128xi32, #tpu.memory_space<vmem>> -> memref<1x128xi32, #tpu.memory_space<vmem>>
    %dma_start3A_275 = tpu.memref_squeeze %dma_start3A_274 : memref<1x128xi32, #tpu.memory_space<vmem>> -> memref<128xi32, #tpu.memory_space<vmem>>
    %dma_start3A_276 = arith.constant 0 : i32
    %dma_start3A_277 = arith.constant 0 : i32
    %dma_start3A_278 = tpu.memref_slice %arg3[%dma_start3A_276, %dma_start3A_277] : memref<1000000x64xf32, #tpu.memory_space<hbm>> -> memref<1000000x64xf32, #tpu.memory_space<hbm>>
    tpu.enqueue_indirect_dma source(%dma_start3A_278 : memref<1000000x64xf32, #tpu.memory_space<hbm>>) target(%dma_start3A_272 : memref<128x64xf32, #tpu.memory_space<vmem>>) offsets(%dma_start3A_275 : memref<128xi32, #tpu.memory_space<vmem>>) semaphore(%arg8 : memref<!tpu.dma_semaphore, #tpu.memory_space<semaphore_mem>>)
    %dma_start3A_279 = arith.constant 22 : i32
    %dma_start3A_280 = arith.constant 256 : i32
    %dma_start3A_281 = arith.constant 0 : i32
    %dma_start3A_282 = tpu.memref_slice %arg6[%dma_start3A_280, %dma_start3A_281] : memref<640x64xf32, #tpu.memory_space<vmem>> -> memref<128x64xf32, #tpu.memory_space<vmem>>
    %dma_start3A_283 = arith.constant 0 : i32
    %dma_start3A_284 = tpu.memref_slice %arg5[%dma_start3A_279, %dma_start3A_283] : memref<50x128xi32, #tpu.memory_space<vmem>> -> memref<1x128xi32, #tpu.memory_space<vmem>>
    %dma_start3A_285 = tpu.memref_squeeze %dma_start3A_284 : memref<1x128xi32, #tpu.memory_space<vmem>> -> memref<128xi32, #tpu.memory_space<vmem>>
    %dma_start3A_286 = arith.constant 0 : i32
    %dma_start3A_287 = arith.constant 0 : i32
    %dma_start3A_288 = tpu.memref_slice %arg3[%dma_start3A_286, %dma_start3A_287] : memref<1000000x64xf32, #tpu.memory_space<hbm>> -> memref<1000000x64xf32, #tpu.memory_space<hbm>>
    tpu.enqueue_indirect_dma source(%dma_start3A_288 : memref<1000000x64xf32, #tpu.memory_space<hbm>>) target(%dma_start3A_282 : memref<128x64xf32, #tpu.memory_space<vmem>>) offsets(%dma_start3A_285 : memref<128xi32, #tpu.memory_space<vmem>>) semaphore(%arg8 : memref<!tpu.dma_semaphore, #tpu.memory_space<semaphore_mem>>)
    %dma_start3A_289 = arith.constant 23 : i32
    %dma_start3A_290 = arith.constant 384 : i32
    %dma_start3A_291 = arith.constant 0 : i32
    %dma_start3A_292 = tpu.memref_slice %arg6[%dma_start3A_290, %dma_start3A_291] : memref<640x64xf32, #tpu.memory_space<vmem>> -> memref<128x64xf32, #tpu.memory_space<vmem>>
    %dma_start3A_293 = arith.constant 0 : i32
    %dma_start3A_294 = tpu.memref_slice %arg5[%dma_start3A_289, %dma_start3A_293] : memref<50x128xi32, #tpu.memory_space<vmem>> -> memref<1x128xi32, #tpu.memory_space<vmem>>
    %dma_start3A_295 = tpu.memref_squeeze %dma_start3A_294 : memref<1x128xi32, #tpu.memory_space<vmem>> -> memref<128xi32, #tpu.memory_space<vmem>>
    %dma_start3A_296 = arith.constant 0 : i32
    %dma_start3A_297 = arith.constant 0 : i32
    %dma_start3A_298 = tpu.memref_slice %arg3[%dma_start3A_296, %dma_start3A_297] : memref<1000000x64xf32, #tpu.memory_space<hbm>> -> memref<1000000x64xf32, #tpu.memory_space<hbm>>
    tpu.enqueue_indirect_dma source(%dma_start3A_298 : memref<1000000x64xf32, #tpu.memory_space<hbm>>) target(%dma_start3A_292 : memref<128x64xf32, #tpu.memory_space<vmem>>) offsets(%dma_start3A_295 : memref<128xi32, #tpu.memory_space<vmem>>) semaphore(%arg8 : memref<!tpu.dma_semaphore, #tpu.memory_space<semaphore_mem>>)
    %dma_start3A_299 = arith.constant 24 : i32
    %dma_start3A_300 = arith.constant 512 : i32
    %dma_start3A_301 = arith.constant 0 : i32
    %dma_start3A_302 = tpu.memref_slice %arg6[%dma_start3A_300, %dma_start3A_301] : memref<640x64xf32, #tpu.memory_space<vmem>> -> memref<128x64xf32, #tpu.memory_space<vmem>>
    %dma_start3A_303 = arith.constant 0 : i32
    %dma_start3A_304 = tpu.memref_slice %arg5[%dma_start3A_299, %dma_start3A_303] : memref<50x128xi32, #tpu.memory_space<vmem>> -> memref<1x128xi32, #tpu.memory_space<vmem>>
    %dma_start3A_305 = tpu.memref_squeeze %dma_start3A_304 : memref<1x128xi32, #tpu.memory_space<vmem>> -> memref<128xi32, #tpu.memory_space<vmem>>
    %dma_start3A_306 = arith.constant 0 : i32
    %dma_start3A_307 = arith.constant 0 : i32
    %dma_start3A_308 = tpu.memref_slice %arg3[%dma_start3A_306, %dma_start3A_307] : memref<1000000x64xf32, #tpu.memory_space<hbm>> -> memref<1000000x64xf32, #tpu.memory_space<hbm>>
    tpu.enqueue_indirect_dma source(%dma_start3A_308 : memref<1000000x64xf32, #tpu.memory_space<hbm>>) target(%dma_start3A_302 : memref<128x64xf32, #tpu.memory_space<vmem>>) offsets(%dma_start3A_305 : memref<128xi32, #tpu.memory_space<vmem>>) semaphore(%arg8 : memref<!tpu.dma_semaphore, #tpu.memory_space<semaphore_mem>>)
    %dma_wait3A_309 = arith.constant 0 : i32
    %dma_wait3A_310 = arith.constant 0 : i32
    %dma_wait3A_311 = tpu.memref_slice %arg3[%dma_wait3A_309, %dma_wait3A_310] : memref<1000000x64xf32, #tpu.memory_space<hbm>> -> memref<640x64xf32, #tpu.memory_space<hbm>>
    %dma_wait3A_312 = arith.constant 0 : i32
    %dma_wait3A_313 = arith.constant 0 : i32
    %dma_wait3A_314 = tpu.memref_slice %arg3[%dma_wait3A_312, %dma_wait3A_313] : memref<1000000x64xf32, #tpu.memory_space<hbm>> -> memref<640x64xf32, #tpu.memory_space<hbm>>
    tpu.wait_dma2 semaphore(%arg8 : memref<!tpu.dma_semaphore, #tpu.memory_space<semaphore_mem>>) src(%dma_wait3A_314 : memref<640x64xf32, #tpu.memory_space<hbm>>) dst(%arg7 : memref<640x64xf32, #tpu.memory_space<vmem>>)
    %mul3A_315 = arith.constant 6400 : i32
    %mul3A_316 = arith.muli %add3A, %mul3A_315 : i32
    %add3A_317 = arith.constant 1920 : i32
    %add3A_318 = arith.addi %mul3A_316, %add3A_317 : i32
    %dma_start3A_319 = arith.constant 0 : i32
    %dma_start3A_320 = tpu.memref_slice %arg4[%add3A_318, %dma_start3A_319] : memref<204800x128xf32, #tpu.memory_space<hbm>> -> memref<640x64xf32, #tpu.memory_space<hbm>>
    %dma_start3A_321 = arith.constant 0 : i32
    %dma_start3A_322 = tpu.memref_slice %arg4[%add3A_318, %dma_start3A_321] : memref<204800x128xf32, #tpu.memory_space<hbm>> -> memref<640x64xf32, #tpu.memory_space<hbm>>
    tpu.enqueue_dma source(%arg7 : memref<640x64xf32, #tpu.memory_space<vmem>>) target(%dma_start3A_322 : memref<640x64xf32, #tpu.memory_space<hbm>>) target_semaphore(%arg9 : memref<!tpu.dma_semaphore, #tpu.memory_space<semaphore_mem>>)
    %mul3A_323 = arith.constant 6400 : i32
    %mul3A_324 = arith.muli %add3A, %mul3A_323 : i32
    %dma_wait3A_325 = arith.constant 0 : i32
    %dma_wait3A_326 = tpu.memref_slice %arg4[%mul3A_324, %dma_wait3A_325] : memref<204800x128xf32, #tpu.memory_space<hbm>> -> memref<640x64xf32, #tpu.memory_space<hbm>>
    %dma_wait3A_327 = arith.constant 0 : i32
    %dma_wait3A_328 = tpu.memref_slice %arg4[%mul3A_324, %dma_wait3A_327] : memref<204800x128xf32, #tpu.memory_space<hbm>> -> memref<640x64xf32, #tpu.memory_space<hbm>>
    tpu.wait_dma2 semaphore(%arg9 : memref<!tpu.dma_semaphore, #tpu.memory_space<semaphore_mem>>) src(%arg7 : memref<640x64xf32, #tpu.memory_space<vmem>>) dst(%dma_wait3A_328 : memref<640x64xf32, #tpu.memory_space<hbm>>)
    %dma_start3A_329 = arith.constant 25 : i32
    %dma_start3A_330 = arith.constant 0 : i32
    %dma_start3A_331 = arith.constant 0 : i32
    %dma_start3A_332 = tpu.memref_slice %arg7[%dma_start3A_330, %dma_start3A_331] : memref<640x64xf32, #tpu.memory_space<vmem>> -> memref<128x64xf32, #tpu.memory_space<vmem>>
    %dma_start3A_333 = arith.constant 0 : i32
    %dma_start3A_334 = tpu.memref_slice %arg5[%dma_start3A_329, %dma_start3A_333] : memref<50x128xi32, #tpu.memory_space<vmem>> -> memref<1x128xi32, #tpu.memory_space<vmem>>
    %dma_start3A_335 = tpu.memref_squeeze %dma_start3A_334 : memref<1x128xi32, #tpu.memory_space<vmem>> -> memref<128xi32, #tpu.memory_space<vmem>>
    %dma_start3A_336 = arith.constant 0 : i32
    %dma_start3A_337 = arith.constant 0 : i32
    %dma_start3A_338 = tpu.memref_slice %arg3[%dma_start3A_336, %dma_start3A_337] : memref<1000000x64xf32, #tpu.memory_space<hbm>> -> memref<1000000x64xf32, #tpu.memory_space<hbm>>
    tpu.enqueue_indirect_dma source(%dma_start3A_338 : memref<1000000x64xf32, #tpu.memory_space<hbm>>) target(%dma_start3A_332 : memref<128x64xf32, #tpu.memory_space<vmem>>) offsets(%dma_start3A_335 : memref<128xi32, #tpu.memory_space<vmem>>) semaphore(%arg8 : memref<!tpu.dma_semaphore, #tpu.memory_space<semaphore_mem>>)
    %dma_start3A_339 = arith.constant 26 : i32
    %dma_start3A_340 = arith.constant 128 : i32
    %dma_start3A_341 = arith.constant 0 : i32
    %dma_start3A_342 = tpu.memref_slice %arg7[%dma_start3A_340, %dma_start3A_341] : memref<640x64xf32, #tpu.memory_space<vmem>> -> memref<128x64xf32, #tpu.memory_space<vmem>>
    %dma_start3A_343 = arith.constant 0 : i32
    %dma_start3A_344 = tpu.memref_slice %arg5[%dma_start3A_339, %dma_start3A_343] : memref<50x128xi32, #tpu.memory_space<vmem>> -> memref<1x128xi32, #tpu.memory_space<vmem>>
    %dma_start3A_345 = tpu.memref_squeeze %dma_start3A_344 : memref<1x128xi32, #tpu.memory_space<vmem>> -> memref<128xi32, #tpu.memory_space<vmem>>
    %dma_start3A_346 = arith.constant 0 : i32
    %dma_start3A_347 = arith.constant 0 : i32
    %dma_start3A_348 = tpu.memref_slice %arg3[%dma_start3A_346, %dma_start3A_347] : memref<1000000x64xf32, #tpu.memory_space<hbm>> -> memref<1000000x64xf32, #tpu.memory_space<hbm>>
    tpu.enqueue_indirect_dma source(%dma_start3A_348 : memref<1000000x64xf32, #tpu.memory_space<hbm>>) target(%dma_start3A_342 : memref<128x64xf32, #tpu.memory_space<vmem>>) offsets(%dma_start3A_345 : memref<128xi32, #tpu.memory_space<vmem>>) semaphore(%arg8 : memref<!tpu.dma_semaphore, #tpu.memory_space<semaphore_mem>>)
    %dma_start3A_349 = arith.constant 27 : i32
    %dma_start3A_350 = arith.constant 256 : i32
    %dma_start3A_351 = arith.constant 0 : i32
    %dma_start3A_352 = tpu.memref_slice %arg7[%dma_start3A_350, %dma_start3A_351] : memref<640x64xf32, #tpu.memory_space<vmem>> -> memref<128x64xf32, #tpu.memory_space<vmem>>
    %dma_start3A_353 = arith.constant 0 : i32
    %dma_start3A_354 = tpu.memref_slice %arg5[%dma_start3A_349, %dma_start3A_353] : memref<50x128xi32, #tpu.memory_space<vmem>> -> memref<1x128xi32, #tpu.memory_space<vmem>>
    %dma_start3A_355 = tpu.memref_squeeze %dma_start3A_354 : memref<1x128xi32, #tpu.memory_space<vmem>> -> memref<128xi32, #tpu.memory_space<vmem>>
    %dma_start3A_356 = arith.constant 0 : i32
    %dma_start3A_357 = arith.constant 0 : i32
    %dma_start3A_358 = tpu.memref_slice %arg3[%dma_start3A_356, %dma_start3A_357] : memref<1000000x64xf32, #tpu.memory_space<hbm>> -> memref<1000000x64xf32, #tpu.memory_space<hbm>>
    tpu.enqueue_indirect_dma source(%dma_start3A_358 : memref<1000000x64xf32, #tpu.memory_space<hbm>>) target(%dma_start3A_352 : memref<128x64xf32, #tpu.memory_space<vmem>>) offsets(%dma_start3A_355 : memref<128xi32, #tpu.memory_space<vmem>>) semaphore(%arg8 : memref<!tpu.dma_semaphore, #tpu.memory_space<semaphore_mem>>)
    %dma_start3A_359 = arith.constant 28 : i32
    %dma_start3A_360 = arith.constant 384 : i32
    %dma_start3A_361 = arith.constant 0 : i32
    %dma_start3A_362 = tpu.memref_slice %arg7[%dma_start3A_360, %dma_start3A_361] : memref<640x64xf32, #tpu.memory_space<vmem>> -> memref<128x64xf32, #tpu.memory_space<vmem>>
    %dma_start3A_363 = arith.constant 0 : i32
    %dma_start3A_364 = tpu.memref_slice %arg5[%dma_start3A_359, %dma_start3A_363] : memref<50x128xi32, #tpu.memory_space<vmem>> -> memref<1x128xi32, #tpu.memory_space<vmem>>
    %dma_start3A_365 = tpu.memref_squeeze %dma_start3A_364 : memref<1x128xi32, #tpu.memory_space<vmem>> -> memref<128xi32, #tpu.memory_space<vmem>>
    %dma_start3A_366 = arith.constant 0 : i32
    %dma_start3A_367 = arith.constant 0 : i32
    %dma_start3A_368 = tpu.memref_slice %arg3[%dma_start3A_366, %dma_start3A_367] : memref<1000000x64xf32, #tpu.memory_space<hbm>> -> memref<1000000x64xf32, #tpu.memory_space<hbm>>
    tpu.enqueue_indirect_dma source(%dma_start3A_368 : memref<1000000x64xf32, #tpu.memory_space<hbm>>) target(%dma_start3A_362 : memref<128x64xf32, #tpu.memory_space<vmem>>) offsets(%dma_start3A_365 : memref<128xi32, #tpu.memory_space<vmem>>) semaphore(%arg8 : memref<!tpu.dma_semaphore, #tpu.memory_space<semaphore_mem>>)
    %dma_start3A_369 = arith.constant 29 : i32
    %dma_start3A_370 = arith.constant 512 : i32
    %dma_start3A_371 = arith.constant 0 : i32
    %dma_start3A_372 = tpu.memref_slice %arg7[%dma_start3A_370, %dma_start3A_371] : memref<640x64xf32, #tpu.memory_space<vmem>> -> memref<128x64xf32, #tpu.memory_space<vmem>>
    %dma_start3A_373 = arith.constant 0 : i32
    %dma_start3A_374 = tpu.memref_slice %arg5[%dma_start3A_369, %dma_start3A_373] : memref<50x128xi32, #tpu.memory_space<vmem>> -> memref<1x128xi32, #tpu.memory_space<vmem>>
    %dma_start3A_375 = tpu.memref_squeeze %dma_start3A_374 : memref<1x128xi32, #tpu.memory_space<vmem>> -> memref<128xi32, #tpu.memory_space<vmem>>
    %dma_start3A_376 = arith.constant 0 : i32
    %dma_start3A_377 = arith.constant 0 : i32
    %dma_start3A_378 = tpu.memref_slice %arg3[%dma_start3A_376, %dma_start3A_377] : memref<1000000x64xf32, #tpu.memory_space<hbm>> -> memref<1000000x64xf32, #tpu.memory_space<hbm>>
    tpu.enqueue_indirect_dma source(%dma_start3A_378 : memref<1000000x64xf32, #tpu.memory_space<hbm>>) target(%dma_start3A_372 : memref<128x64xf32, #tpu.memory_space<vmem>>) offsets(%dma_start3A_375 : memref<128xi32, #tpu.memory_space<vmem>>) semaphore(%arg8 : memref<!tpu.dma_semaphore, #tpu.memory_space<semaphore_mem>>)
    %dma_wait3A_379 = arith.constant 0 : i32
    %dma_wait3A_380 = arith.constant 0 : i32
    %dma_wait3A_381 = tpu.memref_slice %arg3[%dma_wait3A_379, %dma_wait3A_380] : memref<1000000x64xf32, #tpu.memory_space<hbm>> -> memref<640x64xf32, #tpu.memory_space<hbm>>
    %dma_wait3A_382 = arith.constant 0 : i32
    %dma_wait3A_383 = arith.constant 0 : i32
    %dma_wait3A_384 = tpu.memref_slice %arg3[%dma_wait3A_382, %dma_wait3A_383] : memref<1000000x64xf32, #tpu.memory_space<hbm>> -> memref<640x64xf32, #tpu.memory_space<hbm>>
    tpu.wait_dma2 semaphore(%arg8 : memref<!tpu.dma_semaphore, #tpu.memory_space<semaphore_mem>>) src(%dma_wait3A_384 : memref<640x64xf32, #tpu.memory_space<hbm>>) dst(%arg6 : memref<640x64xf32, #tpu.memory_space<vmem>>)
    %mul3A_385 = arith.constant 6400 : i32
    %mul3A_386 = arith.muli %add3A, %mul3A_385 : i32
    %add3A_387 = arith.constant 2560 : i32
    %add3A_388 = arith.addi %mul3A_386, %add3A_387 : i32
    %dma_start3A_389 = arith.constant 0 : i32
    %dma_start3A_390 = tpu.memref_slice %arg4[%add3A_388, %dma_start3A_389] : memref<204800x128xf32, #tpu.memory_space<hbm>> -> memref<640x64xf32, #tpu.memory_space<hbm>>
    %dma_start3A_391 = arith.constant 0 : i32
    %dma_start3A_392 = tpu.memref_slice %arg4[%add3A_388, %dma_start3A_391] : memref<204800x128xf32, #tpu.memory_space<hbm>> -> memref<640x64xf32, #tpu.memory_space<hbm>>
    tpu.enqueue_dma source(%arg6 : memref<640x64xf32, #tpu.memory_space<vmem>>) target(%dma_start3A_392 : memref<640x64xf32, #tpu.memory_space<hbm>>) target_semaphore(%arg9 : memref<!tpu.dma_semaphore, #tpu.memory_space<semaphore_mem>>)
    %mul3A_393 = arith.constant 6400 : i32
    %mul3A_394 = arith.muli %add3A, %mul3A_393 : i32
    %dma_wait3A_395 = arith.constant 0 : i32
    %dma_wait3A_396 = tpu.memref_slice %arg4[%mul3A_394, %dma_wait3A_395] : memref<204800x128xf32, #tpu.memory_space<hbm>> -> memref<640x64xf32, #tpu.memory_space<hbm>>
    %dma_wait3A_397 = arith.constant 0 : i32
    %dma_wait3A_398 = tpu.memref_slice %arg4[%mul3A_394, %dma_wait3A_397] : memref<204800x128xf32, #tpu.memory_space<hbm>> -> memref<640x64xf32, #tpu.memory_space<hbm>>
    tpu.wait_dma2 semaphore(%arg9 : memref<!tpu.dma_semaphore, #tpu.memory_space<semaphore_mem>>) src(%arg6 : memref<640x64xf32, #tpu.memory_space<vmem>>) dst(%dma_wait3A_398 : memref<640x64xf32, #tpu.memory_space<hbm>>)
    %dma_start3A_399 = arith.constant 30 : i32
    %dma_start3A_400 = arith.constant 0 : i32
    %dma_start3A_401 = arith.constant 0 : i32
    %dma_start3A_402 = tpu.memref_slice %arg6[%dma_start3A_400, %dma_start3A_401] : memref<640x64xf32, #tpu.memory_space<vmem>> -> memref<128x64xf32, #tpu.memory_space<vmem>>
    %dma_start3A_403 = arith.constant 0 : i32
    %dma_start3A_404 = tpu.memref_slice %arg5[%dma_start3A_399, %dma_start3A_403] : memref<50x128xi32, #tpu.memory_space<vmem>> -> memref<1x128xi32, #tpu.memory_space<vmem>>
    %dma_start3A_405 = tpu.memref_squeeze %dma_start3A_404 : memref<1x128xi32, #tpu.memory_space<vmem>> -> memref<128xi32, #tpu.memory_space<vmem>>
    %dma_start3A_406 = arith.constant 0 : i32
    %dma_start3A_407 = arith.constant 0 : i32
    %dma_start3A_408 = tpu.memref_slice %arg3[%dma_start3A_406, %dma_start3A_407] : memref<1000000x64xf32, #tpu.memory_space<hbm>> -> memref<1000000x64xf32, #tpu.memory_space<hbm>>
    tpu.enqueue_indirect_dma source(%dma_start3A_408 : memref<1000000x64xf32, #tpu.memory_space<hbm>>) target(%dma_start3A_402 : memref<128x64xf32, #tpu.memory_space<vmem>>) offsets(%dma_start3A_405 : memref<128xi32, #tpu.memory_space<vmem>>) semaphore(%arg8 : memref<!tpu.dma_semaphore, #tpu.memory_space<semaphore_mem>>)
    %dma_start3A_409 = arith.constant 31 : i32
    %dma_start3A_410 = arith.constant 128 : i32
    %dma_start3A_411 = arith.constant 0 : i32
    %dma_start3A_412 = tpu.memref_slice %arg6[%dma_start3A_410, %dma_start3A_411] : memref<640x64xf32, #tpu.memory_space<vmem>> -> memref<128x64xf32, #tpu.memory_space<vmem>>
    %dma_start3A_413 = arith.constant 0 : i32
    %dma_start3A_414 = tpu.memref_slice %arg5[%dma_start3A_409, %dma_start3A_413] : memref<50x128xi32, #tpu.memory_space<vmem>> -> memref<1x128xi32, #tpu.memory_space<vmem>>
    %dma_start3A_415 = tpu.memref_squeeze %dma_start3A_414 : memref<1x128xi32, #tpu.memory_space<vmem>> -> memref<128xi32, #tpu.memory_space<vmem>>
    %dma_start3A_416 = arith.constant 0 : i32
    %dma_start3A_417 = arith.constant 0 : i32
    %dma_start3A_418 = tpu.memref_slice %arg3[%dma_start3A_416, %dma_start3A_417] : memref<1000000x64xf32, #tpu.memory_space<hbm>> -> memref<1000000x64xf32, #tpu.memory_space<hbm>>
    tpu.enqueue_indirect_dma source(%dma_start3A_418 : memref<1000000x64xf32, #tpu.memory_space<hbm>>) target(%dma_start3A_412 : memref<128x64xf32, #tpu.memory_space<vmem>>) offsets(%dma_start3A_415 : memref<128xi32, #tpu.memory_space<vmem>>) semaphore(%arg8 : memref<!tpu.dma_semaphore, #tpu.memory_space<semaphore_mem>>)
    %dma_start3A_419 = arith.constant 32 : i32
    %dma_start3A_420 = arith.constant 256 : i32
    %dma_start3A_421 = arith.constant 0 : i32
    %dma_start3A_422 = tpu.memref_slice %arg6[%dma_start3A_420, %dma_start3A_421] : memref<640x64xf32, #tpu.memory_space<vmem>> -> memref<128x64xf32, #tpu.memory_space<vmem>>
    %dma_start3A_423 = arith.constant 0 : i32
    %dma_start3A_424 = tpu.memref_slice %arg5[%dma_start3A_419, %dma_start3A_423] : memref<50x128xi32, #tpu.memory_space<vmem>> -> memref<1x128xi32, #tpu.memory_space<vmem>>
    %dma_start3A_425 = tpu.memref_squeeze %dma_start3A_424 : memref<1x128xi32, #tpu.memory_space<vmem>> -> memref<128xi32, #tpu.memory_space<vmem>>
    %dma_start3A_426 = arith.constant 0 : i32
    %dma_start3A_427 = arith.constant 0 : i32
    %dma_start3A_428 = tpu.memref_slice %arg3[%dma_start3A_426, %dma_start3A_427] : memref<1000000x64xf32, #tpu.memory_space<hbm>> -> memref<1000000x64xf32, #tpu.memory_space<hbm>>
    tpu.enqueue_indirect_dma source(%dma_start3A_428 : memref<1000000x64xf32, #tpu.memory_space<hbm>>) target(%dma_start3A_422 : memref<128x64xf32, #tpu.memory_space<vmem>>) offsets(%dma_start3A_425 : memref<128xi32, #tpu.memory_space<vmem>>) semaphore(%arg8 : memref<!tpu.dma_semaphore, #tpu.memory_space<semaphore_mem>>)
    %dma_start3A_429 = arith.constant 33 : i32
    %dma_start3A_430 = arith.constant 384 : i32
    %dma_start3A_431 = arith.constant 0 : i32
    %dma_start3A_432 = tpu.memref_slice %arg6[%dma_start3A_430, %dma_start3A_431] : memref<640x64xf32, #tpu.memory_space<vmem>> -> memref<128x64xf32, #tpu.memory_space<vmem>>
    %dma_start3A_433 = arith.constant 0 : i32
    %dma_start3A_434 = tpu.memref_slice %arg5[%dma_start3A_429, %dma_start3A_433] : memref<50x128xi32, #tpu.memory_space<vmem>> -> memref<1x128xi32, #tpu.memory_space<vmem>>
    %dma_start3A_435 = tpu.memref_squeeze %dma_start3A_434 : memref<1x128xi32, #tpu.memory_space<vmem>> -> memref<128xi32, #tpu.memory_space<vmem>>
    %dma_start3A_436 = arith.constant 0 : i32
    %dma_start3A_437 = arith.constant 0 : i32
    %dma_start3A_438 = tpu.memref_slice %arg3[%dma_start3A_436, %dma_start3A_437] : memref<1000000x64xf32, #tpu.memory_space<hbm>> -> memref<1000000x64xf32, #tpu.memory_space<hbm>>
    tpu.enqueue_indirect_dma source(%dma_start3A_438 : memref<1000000x64xf32, #tpu.memory_space<hbm>>) target(%dma_start3A_432 : memref<128x64xf32, #tpu.memory_space<vmem>>) offsets(%dma_start3A_435 : memref<128xi32, #tpu.memory_space<vmem>>) semaphore(%arg8 : memref<!tpu.dma_semaphore, #tpu.memory_space<semaphore_mem>>)
    %dma_start3A_439 = arith.constant 34 : i32
    %dma_start3A_440 = arith.constant 512 : i32
    %dma_start3A_441 = arith.constant 0 : i32
    %dma_start3A_442 = tpu.memref_slice %arg6[%dma_start3A_440, %dma_start3A_441] : memref<640x64xf32, #tpu.memory_space<vmem>> -> memref<128x64xf32, #tpu.memory_space<vmem>>
    %dma_start3A_443 = arith.constant 0 : i32
    %dma_start3A_444 = tpu.memref_slice %arg5[%dma_start3A_439, %dma_start3A_443] : memref<50x128xi32, #tpu.memory_space<vmem>> -> memref<1x128xi32, #tpu.memory_space<vmem>>
    %dma_start3A_445 = tpu.memref_squeeze %dma_start3A_444 : memref<1x128xi32, #tpu.memory_space<vmem>> -> memref<128xi32, #tpu.memory_space<vmem>>
    %dma_start3A_446 = arith.constant 0 : i32
    %dma_start3A_447 = arith.constant 0 : i32
    %dma_start3A_448 = tpu.memref_slice %arg3[%dma_start3A_446, %dma_start3A_447] : memref<1000000x64xf32, #tpu.memory_space<hbm>> -> memref<1000000x64xf32, #tpu.memory_space<hbm>>
    tpu.enqueue_indirect_dma source(%dma_start3A_448 : memref<1000000x64xf32, #tpu.memory_space<hbm>>) target(%dma_start3A_442 : memref<128x64xf32, #tpu.memory_space<vmem>>) offsets(%dma_start3A_445 : memref<128xi32, #tpu.memory_space<vmem>>) semaphore(%arg8 : memref<!tpu.dma_semaphore, #tpu.memory_space<semaphore_mem>>)
    %dma_wait3A_449 = arith.constant 0 : i32
    %dma_wait3A_450 = arith.constant 0 : i32
    %dma_wait3A_451 = tpu.memref_slice %arg3[%dma_wait3A_449, %dma_wait3A_450] : memref<1000000x64xf32, #tpu.memory_space<hbm>> -> memref<640x64xf32, #tpu.memory_space<hbm>>
    %dma_wait3A_452 = arith.constant 0 : i32
    %dma_wait3A_453 = arith.constant 0 : i32
    %dma_wait3A_454 = tpu.memref_slice %arg3[%dma_wait3A_452, %dma_wait3A_453] : memref<1000000x64xf32, #tpu.memory_space<hbm>> -> memref<640x64xf32, #tpu.memory_space<hbm>>
    tpu.wait_dma2 semaphore(%arg8 : memref<!tpu.dma_semaphore, #tpu.memory_space<semaphore_mem>>) src(%dma_wait3A_454 : memref<640x64xf32, #tpu.memory_space<hbm>>) dst(%arg7 : memref<640x64xf32, #tpu.memory_space<vmem>>)
    %mul3A_455 = arith.constant 6400 : i32
    %mul3A_456 = arith.muli %add3A, %mul3A_455 : i32
    %add3A_457 = arith.constant 3200 : i32
    %add3A_458 = arith.addi %mul3A_456, %add3A_457 : i32
    %dma_start3A_459 = arith.constant 0 : i32
    %dma_start3A_460 = tpu.memref_slice %arg4[%add3A_458, %dma_start3A_459] : memref<204800x128xf32, #tpu.memory_space<hbm>> -> memref<640x64xf32, #tpu.memory_space<hbm>>
    %dma_start3A_461 = arith.constant 0 : i32
    %dma_start3A_462 = tpu.memref_slice %arg4[%add3A_458, %dma_start3A_461] : memref<204800x128xf32, #tpu.memory_space<hbm>> -> memref<640x64xf32, #tpu.memory_space<hbm>>
    tpu.enqueue_dma source(%arg7 : memref<640x64xf32, #tpu.memory_space<vmem>>) target(%dma_start3A_462 : memref<640x64xf32, #tpu.memory_space<hbm>>) target_semaphore(%arg9 : memref<!tpu.dma_semaphore, #tpu.memory_space<semaphore_mem>>)
    %mul3A_463 = arith.constant 6400 : i32
    %mul3A_464 = arith.muli %add3A, %mul3A_463 : i32
    %dma_wait3A_465 = arith.constant 0 : i32
    %dma_wait3A_466 = tpu.memref_slice %arg4[%mul3A_464, %dma_wait3A_465] : memref<204800x128xf32, #tpu.memory_space<hbm>> -> memref<640x64xf32, #tpu.memory_space<hbm>>
    %dma_wait3A_467 = arith.constant 0 : i32
    %dma_wait3A_468 = tpu.memref_slice %arg4[%mul3A_464, %dma_wait3A_467] : memref<204800x128xf32, #tpu.memory_space<hbm>> -> memref<640x64xf32, #tpu.memory_space<hbm>>
    tpu.wait_dma2 semaphore(%arg9 : memref<!tpu.dma_semaphore, #tpu.memory_space<semaphore_mem>>) src(%arg7 : memref<640x64xf32, #tpu.memory_space<vmem>>) dst(%dma_wait3A_468 : memref<640x64xf32, #tpu.memory_space<hbm>>)
    %dma_start3A_469 = arith.constant 35 : i32
    %dma_start3A_470 = arith.constant 0 : i32
    %dma_start3A_471 = arith.constant 0 : i32
    %dma_start3A_472 = tpu.memref_slice %arg7[%dma_start3A_470, %dma_start3A_471] : memref<640x64xf32, #tpu.memory_space<vmem>> -> memref<128x64xf32, #tpu.memory_space<vmem>>
    %dma_start3A_473 = arith.constant 0 : i32
    %dma_start3A_474 = tpu.memref_slice %arg5[%dma_start3A_469, %dma_start3A_473] : memref<50x128xi32, #tpu.memory_space<vmem>> -> memref<1x128xi32, #tpu.memory_space<vmem>>
    %dma_start3A_475 = tpu.memref_squeeze %dma_start3A_474 : memref<1x128xi32, #tpu.memory_space<vmem>> -> memref<128xi32, #tpu.memory_space<vmem>>
    %dma_start3A_476 = arith.constant 0 : i32
    %dma_start3A_477 = arith.constant 0 : i32
    %dma_start3A_478 = tpu.memref_slice %arg3[%dma_start3A_476, %dma_start3A_477] : memref<1000000x64xf32, #tpu.memory_space<hbm>> -> memref<1000000x64xf32, #tpu.memory_space<hbm>>
    tpu.enqueue_indirect_dma source(%dma_start3A_478 : memref<1000000x64xf32, #tpu.memory_space<hbm>>) target(%dma_start3A_472 : memref<128x64xf32, #tpu.memory_space<vmem>>) offsets(%dma_start3A_475 : memref<128xi32, #tpu.memory_space<vmem>>) semaphore(%arg8 : memref<!tpu.dma_semaphore, #tpu.memory_space<semaphore_mem>>)
    %dma_start3A_479 = arith.constant 36 : i32
    %dma_start3A_480 = arith.constant 128 : i32
    %dma_start3A_481 = arith.constant 0 : i32
    %dma_start3A_482 = tpu.memref_slice %arg7[%dma_start3A_480, %dma_start3A_481] : memref<640x64xf32, #tpu.memory_space<vmem>> -> memref<128x64xf32, #tpu.memory_space<vmem>>
    %dma_start3A_483 = arith.constant 0 : i32
    %dma_start3A_484 = tpu.memref_slice %arg5[%dma_start3A_479, %dma_start3A_483] : memref<50x128xi32, #tpu.memory_space<vmem>> -> memref<1x128xi32, #tpu.memory_space<vmem>>
    %dma_start3A_485 = tpu.memref_squeeze %dma_start3A_484 : memref<1x128xi32, #tpu.memory_space<vmem>> -> memref<128xi32, #tpu.memory_space<vmem>>
    %dma_start3A_486 = arith.constant 0 : i32
    %dma_start3A_487 = arith.constant 0 : i32
    %dma_start3A_488 = tpu.memref_slice %arg3[%dma_start3A_486, %dma_start3A_487] : memref<1000000x64xf32, #tpu.memory_space<hbm>> -> memref<1000000x64xf32, #tpu.memory_space<hbm>>
    tpu.enqueue_indirect_dma source(%dma_start3A_488 : memref<1000000x64xf32, #tpu.memory_space<hbm>>) target(%dma_start3A_482 : memref<128x64xf32, #tpu.memory_space<vmem>>) offsets(%dma_start3A_485 : memref<128xi32, #tpu.memory_space<vmem>>) semaphore(%arg8 : memref<!tpu.dma_semaphore, #tpu.memory_space<semaphore_mem>>)
    %dma_start3A_489 = arith.constant 37 : i32
    %dma_start3A_490 = arith.constant 256 : i32
    %dma_start3A_491 = arith.constant 0 : i32
    %dma_start3A_492 = tpu.memref_slice %arg7[%dma_start3A_490, %dma_start3A_491] : memref<640x64xf32, #tpu.memory_space<vmem>> -> memref<128x64xf32, #tpu.memory_space<vmem>>
    %dma_start3A_493 = arith.constant 0 : i32
    %dma_start3A_494 = tpu.memref_slice %arg5[%dma_start3A_489, %dma_start3A_493] : memref<50x128xi32, #tpu.memory_space<vmem>> -> memref<1x128xi32, #tpu.memory_space<vmem>>
    %dma_start3A_495 = tpu.memref_squeeze %dma_start3A_494 : memref<1x128xi32, #tpu.memory_space<vmem>> -> memref<128xi32, #tpu.memory_space<vmem>>
    %dma_start3A_496 = arith.constant 0 : i32
    %dma_start3A_497 = arith.constant 0 : i32
    %dma_start3A_498 = tpu.memref_slice %arg3[%dma_start3A_496, %dma_start3A_497] : memref<1000000x64xf32, #tpu.memory_space<hbm>> -> memref<1000000x64xf32, #tpu.memory_space<hbm>>
    tpu.enqueue_indirect_dma source(%dma_start3A_498 : memref<1000000x64xf32, #tpu.memory_space<hbm>>) target(%dma_start3A_492 : memref<128x64xf32, #tpu.memory_space<vmem>>) offsets(%dma_start3A_495 : memref<128xi32, #tpu.memory_space<vmem>>) semaphore(%arg8 : memref<!tpu.dma_semaphore, #tpu.memory_space<semaphore_mem>>)
    %dma_start3A_499 = arith.constant 38 : i32
    %dma_start3A_500 = arith.constant 384 : i32
    %dma_start3A_501 = arith.constant 0 : i32
    %dma_start3A_502 = tpu.memref_slice %arg7[%dma_start3A_500, %dma_start3A_501] : memref<640x64xf32, #tpu.memory_space<vmem>> -> memref<128x64xf32, #tpu.memory_space<vmem>>
    %dma_start3A_503 = arith.constant 0 : i32
    %dma_start3A_504 = tpu.memref_slice %arg5[%dma_start3A_499, %dma_start3A_503] : memref<50x128xi32, #tpu.memory_space<vmem>> -> memref<1x128xi32, #tpu.memory_space<vmem>>
    %dma_start3A_505 = tpu.memref_squeeze %dma_start3A_504 : memref<1x128xi32, #tpu.memory_space<vmem>> -> memref<128xi32, #tpu.memory_space<vmem>>
    %dma_start3A_506 = arith.constant 0 : i32
    %dma_start3A_507 = arith.constant 0 : i32
    %dma_start3A_508 = tpu.memref_slice %arg3[%dma_start3A_506, %dma_start3A_507] : memref<1000000x64xf32, #tpu.memory_space<hbm>> -> memref<1000000x64xf32, #tpu.memory_space<hbm>>
    tpu.enqueue_indirect_dma source(%dma_start3A_508 : memref<1000000x64xf32, #tpu.memory_space<hbm>>) target(%dma_start3A_502 : memref<128x64xf32, #tpu.memory_space<vmem>>) offsets(%dma_start3A_505 : memref<128xi32, #tpu.memory_space<vmem>>) semaphore(%arg8 : memref<!tpu.dma_semaphore, #tpu.memory_space<semaphore_mem>>)
    %dma_start3A_509 = arith.constant 39 : i32
    %dma_start3A_510 = arith.constant 512 : i32
    %dma_start3A_511 = arith.constant 0 : i32
    %dma_start3A_512 = tpu.memref_slice %arg7[%dma_start3A_510, %dma_start3A_511] : memref<640x64xf32, #tpu.memory_space<vmem>> -> memref<128x64xf32, #tpu.memory_space<vmem>>
    %dma_start3A_513 = arith.constant 0 : i32
    %dma_start3A_514 = tpu.memref_slice %arg5[%dma_start3A_509, %dma_start3A_513] : memref<50x128xi32, #tpu.memory_space<vmem>> -> memref<1x128xi32, #tpu.memory_space<vmem>>
    %dma_start3A_515 = tpu.memref_squeeze %dma_start3A_514 : memref<1x128xi32, #tpu.memory_space<vmem>> -> memref<128xi32, #tpu.memory_space<vmem>>
    %dma_start3A_516 = arith.constant 0 : i32
    %dma_start3A_517 = arith.constant 0 : i32
    %dma_start3A_518 = tpu.memref_slice %arg3[%dma_start3A_516, %dma_start3A_517] : memref<1000000x64xf32, #tpu.memory_space<hbm>> -> memref<1000000x64xf32, #tpu.memory_space<hbm>>
    tpu.enqueue_indirect_dma source(%dma_start3A_518 : memref<1000000x64xf32, #tpu.memory_space<hbm>>) target(%dma_start3A_512 : memref<128x64xf32, #tpu.memory_space<vmem>>) offsets(%dma_start3A_515 : memref<128xi32, #tpu.memory_space<vmem>>) semaphore(%arg8 : memref<!tpu.dma_semaphore, #tpu.memory_space<semaphore_mem>>)
    %dma_wait3A_519 = arith.constant 0 : i32
    %dma_wait3A_520 = arith.constant 0 : i32
    %dma_wait3A_521 = tpu.memref_slice %arg3[%dma_wait3A_519, %dma_wait3A_520] : memref<1000000x64xf32, #tpu.memory_space<hbm>> -> memref<640x64xf32, #tpu.memory_space<hbm>>
    %dma_wait3A_522 = arith.constant 0 : i32
    %dma_wait3A_523 = arith.constant 0 : i32
    %dma_wait3A_524 = tpu.memref_slice %arg3[%dma_wait3A_522, %dma_wait3A_523] : memref<1000000x64xf32, #tpu.memory_space<hbm>> -> memref<640x64xf32, #tpu.memory_space<hbm>>
    tpu.wait_dma2 semaphore(%arg8 : memref<!tpu.dma_semaphore, #tpu.memory_space<semaphore_mem>>) src(%dma_wait3A_524 : memref<640x64xf32, #tpu.memory_space<hbm>>) dst(%arg6 : memref<640x64xf32, #tpu.memory_space<vmem>>)
    %mul3A_525 = arith.constant 6400 : i32
    %mul3A_526 = arith.muli %add3A, %mul3A_525 : i32
    %add3A_527 = arith.constant 3840 : i32
    %add3A_528 = arith.addi %mul3A_526, %add3A_527 : i32
    %dma_start3A_529 = arith.constant 0 : i32
    %dma_start3A_530 = tpu.memref_slice %arg4[%add3A_528, %dma_start3A_529] : memref<204800x128xf32, #tpu.memory_space<hbm>> -> memref<640x64xf32, #tpu.memory_space<hbm>>
    %dma_start3A_531 = arith.constant 0 : i32
    %dma_start3A_532 = tpu.memref_slice %arg4[%add3A_528, %dma_start3A_531] : memref<204800x128xf32, #tpu.memory_space<hbm>> -> memref<640x64xf32, #tpu.memory_space<hbm>>
    tpu.enqueue_dma source(%arg6 : memref<640x64xf32, #tpu.memory_space<vmem>>) target(%dma_start3A_532 : memref<640x64xf32, #tpu.memory_space<hbm>>) target_semaphore(%arg9 : memref<!tpu.dma_semaphore, #tpu.memory_space<semaphore_mem>>)
    %mul3A_533 = arith.constant 6400 : i32
    %mul3A_534 = arith.muli %add3A, %mul3A_533 : i32
    %dma_wait3A_535 = arith.constant 0 : i32
    %dma_wait3A_536 = tpu.memref_slice %arg4[%mul3A_534, %dma_wait3A_535] : memref<204800x128xf32, #tpu.memory_space<hbm>> -> memref<640x64xf32, #tpu.memory_space<hbm>>
    %dma_wait3A_537 = arith.constant 0 : i32
    %dma_wait3A_538 = tpu.memref_slice %arg4[%mul3A_534, %dma_wait3A_537] : memref<204800x128xf32, #tpu.memory_space<hbm>> -> memref<640x64xf32, #tpu.memory_space<hbm>>
    tpu.wait_dma2 semaphore(%arg9 : memref<!tpu.dma_semaphore, #tpu.memory_space<semaphore_mem>>) src(%arg6 : memref<640x64xf32, #tpu.memory_space<vmem>>) dst(%dma_wait3A_538 : memref<640x64xf32, #tpu.memory_space<hbm>>)
    %dma_start3A_539 = arith.constant 40 : i32
    %dma_start3A_540 = arith.constant 0 : i32
    %dma_start3A_541 = arith.constant 0 : i32
    %dma_start3A_542 = tpu.memref_slice %arg6[%dma_start3A_540, %dma_start3A_541] : memref<640x64xf32, #tpu.memory_space<vmem>> -> memref<128x64xf32, #tpu.memory_space<vmem>>
    %dma_start3A_543 = arith.constant 0 : i32
    %dma_start3A_544 = tpu.memref_slice %arg5[%dma_start3A_539, %dma_start3A_543] : memref<50x128xi32, #tpu.memory_space<vmem>> -> memref<1x128xi32, #tpu.memory_space<vmem>>
    %dma_start3A_545 = tpu.memref_squeeze %dma_start3A_544 : memref<1x128xi32, #tpu.memory_space<vmem>> -> memref<128xi32, #tpu.memory_space<vmem>>
    %dma_start3A_546 = arith.constant 0 : i32
    %dma_start3A_547 = arith.constant 0 : i32
    %dma_start3A_548 = tpu.memref_slice %arg3[%dma_start3A_546, %dma_start3A_547] : memref<1000000x64xf32, #tpu.memory_space<hbm>> -> memref<1000000x64xf32, #tpu.memory_space<hbm>>
    tpu.enqueue_indirect_dma source(%dma_start3A_548 : memref<1000000x64xf32, #tpu.memory_space<hbm>>) target(%dma_start3A_542 : memref<128x64xf32, #tpu.memory_space<vmem>>) offsets(%dma_start3A_545 : memref<128xi32, #tpu.memory_space<vmem>>) semaphore(%arg8 : memref<!tpu.dma_semaphore, #tpu.memory_space<semaphore_mem>>)
    %dma_start3A_549 = arith.constant 41 : i32
    %dma_start3A_550 = arith.constant 128 : i32
    %dma_start3A_551 = arith.constant 0 : i32
    %dma_start3A_552 = tpu.memref_slice %arg6[%dma_start3A_550, %dma_start3A_551] : memref<640x64xf32, #tpu.memory_space<vmem>> -> memref<128x64xf32, #tpu.memory_space<vmem>>
    %dma_start3A_553 = arith.constant 0 : i32
    %dma_start3A_554 = tpu.memref_slice %arg5[%dma_start3A_549, %dma_start3A_553] : memref<50x128xi32, #tpu.memory_space<vmem>> -> memref<1x128xi32, #tpu.memory_space<vmem>>
    %dma_start3A_555 = tpu.memref_squeeze %dma_start3A_554 : memref<1x128xi32, #tpu.memory_space<vmem>> -> memref<128xi32, #tpu.memory_space<vmem>>
    %dma_start3A_556 = arith.constant 0 : i32
    %dma_start3A_557 = arith.constant 0 : i32
    %dma_start3A_558 = tpu.memref_slice %arg3[%dma_start3A_556, %dma_start3A_557] : memref<1000000x64xf32, #tpu.memory_space<hbm>> -> memref<1000000x64xf32, #tpu.memory_space<hbm>>
    tpu.enqueue_indirect_dma source(%dma_start3A_558 : memref<1000000x64xf32, #tpu.memory_space<hbm>>) target(%dma_start3A_552 : memref<128x64xf32, #tpu.memory_space<vmem>>) offsets(%dma_start3A_555 : memref<128xi32, #tpu.memory_space<vmem>>) semaphore(%arg8 : memref<!tpu.dma_semaphore, #tpu.memory_space<semaphore_mem>>)
    %dma_start3A_559 = arith.constant 42 : i32
    %dma_start3A_560 = arith.constant 256 : i32
    %dma_start3A_561 = arith.constant 0 : i32
    %dma_start3A_562 = tpu.memref_slice %arg6[%dma_start3A_560, %dma_start3A_561] : memref<640x64xf32, #tpu.memory_space<vmem>> -> memref<128x64xf32, #tpu.memory_space<vmem>>
    %dma_start3A_563 = arith.constant 0 : i32
    %dma_start3A_564 = tpu.memref_slice %arg5[%dma_start3A_559, %dma_start3A_563] : memref<50x128xi32, #tpu.memory_space<vmem>> -> memref<1x128xi32, #tpu.memory_space<vmem>>
    %dma_start3A_565 = tpu.memref_squeeze %dma_start3A_564 : memref<1x128xi32, #tpu.memory_space<vmem>> -> memref<128xi32, #tpu.memory_space<vmem>>
    %dma_start3A_566 = arith.constant 0 : i32
    %dma_start3A_567 = arith.constant 0 : i32
    %dma_start3A_568 = tpu.memref_slice %arg3[%dma_start3A_566, %dma_start3A_567] : memref<1000000x64xf32, #tpu.memory_space<hbm>> -> memref<1000000x64xf32, #tpu.memory_space<hbm>>
    tpu.enqueue_indirect_dma source(%dma_start3A_568 : memref<1000000x64xf32, #tpu.memory_space<hbm>>) target(%dma_start3A_562 : memref<128x64xf32, #tpu.memory_space<vmem>>) offsets(%dma_start3A_565 : memref<128xi32, #tpu.memory_space<vmem>>) semaphore(%arg8 : memref<!tpu.dma_semaphore, #tpu.memory_space<semaphore_mem>>)
    %dma_start3A_569 = arith.constant 43 : i32
    %dma_start3A_570 = arith.constant 384 : i32
    %dma_start3A_571 = arith.constant 0 : i32
    %dma_start3A_572 = tpu.memref_slice %arg6[%dma_start3A_570, %dma_start3A_571] : memref<640x64xf32, #tpu.memory_space<vmem>> -> memref<128x64xf32, #tpu.memory_space<vmem>>
    %dma_start3A_573 = arith.constant 0 : i32
    %dma_start3A_574 = tpu.memref_slice %arg5[%dma_start3A_569, %dma_start3A_573] : memref<50x128xi32, #tpu.memory_space<vmem>> -> memref<1x128xi32, #tpu.memory_space<vmem>>
    %dma_start3A_575 = tpu.memref_squeeze %dma_start3A_574 : memref<1x128xi32, #tpu.memory_space<vmem>> -> memref<128xi32, #tpu.memory_space<vmem>>
    %dma_start3A_576 = arith.constant 0 : i32
    %dma_start3A_577 = arith.constant 0 : i32
    %dma_start3A_578 = tpu.memref_slice %arg3[%dma_start3A_576, %dma_start3A_577] : memref<1000000x64xf32, #tpu.memory_space<hbm>> -> memref<1000000x64xf32, #tpu.memory_space<hbm>>
    tpu.enqueue_indirect_dma source(%dma_start3A_578 : memref<1000000x64xf32, #tpu.memory_space<hbm>>) target(%dma_start3A_572 : memref<128x64xf32, #tpu.memory_space<vmem>>) offsets(%dma_start3A_575 : memref<128xi32, #tpu.memory_space<vmem>>) semaphore(%arg8 : memref<!tpu.dma_semaphore, #tpu.memory_space<semaphore_mem>>)
    %dma_start3A_579 = arith.constant 44 : i32
    %dma_start3A_580 = arith.constant 512 : i32
    %dma_start3A_581 = arith.constant 0 : i32
    %dma_start3A_582 = tpu.memref_slice %arg6[%dma_start3A_580, %dma_start3A_581] : memref<640x64xf32, #tpu.memory_space<vmem>> -> memref<128x64xf32, #tpu.memory_space<vmem>>
    %dma_start3A_583 = arith.constant 0 : i32
    %dma_start3A_584 = tpu.memref_slice %arg5[%dma_start3A_579, %dma_start3A_583] : memref<50x128xi32, #tpu.memory_space<vmem>> -> memref<1x128xi32, #tpu.memory_space<vmem>>
    %dma_start3A_585 = tpu.memref_squeeze %dma_start3A_584 : memref<1x128xi32, #tpu.memory_space<vmem>> -> memref<128xi32, #tpu.memory_space<vmem>>
    %dma_start3A_586 = arith.constant 0 : i32
    %dma_start3A_587 = arith.constant 0 : i32
    %dma_start3A_588 = tpu.memref_slice %arg3[%dma_start3A_586, %dma_start3A_587] : memref<1000000x64xf32, #tpu.memory_space<hbm>> -> memref<1000000x64xf32, #tpu.memory_space<hbm>>
    tpu.enqueue_indirect_dma source(%dma_start3A_588 : memref<1000000x64xf32, #tpu.memory_space<hbm>>) target(%dma_start3A_582 : memref<128x64xf32, #tpu.memory_space<vmem>>) offsets(%dma_start3A_585 : memref<128xi32, #tpu.memory_space<vmem>>) semaphore(%arg8 : memref<!tpu.dma_semaphore, #tpu.memory_space<semaphore_mem>>)
    %dma_wait3A_589 = arith.constant 0 : i32
    %dma_wait3A_590 = arith.constant 0 : i32
    %dma_wait3A_591 = tpu.memref_slice %arg3[%dma_wait3A_589, %dma_wait3A_590] : memref<1000000x64xf32, #tpu.memory_space<hbm>> -> memref<640x64xf32, #tpu.memory_space<hbm>>
    %dma_wait3A_592 = arith.constant 0 : i32
    %dma_wait3A_593 = arith.constant 0 : i32
    %dma_wait3A_594 = tpu.memref_slice %arg3[%dma_wait3A_592, %dma_wait3A_593] : memref<1000000x64xf32, #tpu.memory_space<hbm>> -> memref<640x64xf32, #tpu.memory_space<hbm>>
    tpu.wait_dma2 semaphore(%arg8 : memref<!tpu.dma_semaphore, #tpu.memory_space<semaphore_mem>>) src(%dma_wait3A_594 : memref<640x64xf32, #tpu.memory_space<hbm>>) dst(%arg7 : memref<640x64xf32, #tpu.memory_space<vmem>>)
    %mul3A_595 = arith.constant 6400 : i32
    %mul3A_596 = arith.muli %add3A, %mul3A_595 : i32
    %add3A_597 = arith.constant 4480 : i32
    %add3A_598 = arith.addi %mul3A_596, %add3A_597 : i32
    %dma_start3A_599 = arith.constant 0 : i32
    %dma_start3A_600 = tpu.memref_slice %arg4[%add3A_598, %dma_start3A_599] : memref<204800x128xf32, #tpu.memory_space<hbm>> -> memref<640x64xf32, #tpu.memory_space<hbm>>
    %dma_start3A_601 = arith.constant 0 : i32
    %dma_start3A_602 = tpu.memref_slice %arg4[%add3A_598, %dma_start3A_601] : memref<204800x128xf32, #tpu.memory_space<hbm>> -> memref<640x64xf32, #tpu.memory_space<hbm>>
    tpu.enqueue_dma source(%arg7 : memref<640x64xf32, #tpu.memory_space<vmem>>) target(%dma_start3A_602 : memref<640x64xf32, #tpu.memory_space<hbm>>) target_semaphore(%arg9 : memref<!tpu.dma_semaphore, #tpu.memory_space<semaphore_mem>>)
    %mul3A_603 = arith.constant 6400 : i32
    %mul3A_604 = arith.muli %add3A, %mul3A_603 : i32
    %dma_wait3A_605 = arith.constant 0 : i32
    %dma_wait3A_606 = tpu.memref_slice %arg4[%mul3A_604, %dma_wait3A_605] : memref<204800x128xf32, #tpu.memory_space<hbm>> -> memref<640x64xf32, #tpu.memory_space<hbm>>
    %dma_wait3A_607 = arith.constant 0 : i32
    %dma_wait3A_608 = tpu.memref_slice %arg4[%mul3A_604, %dma_wait3A_607] : memref<204800x128xf32, #tpu.memory_space<hbm>> -> memref<640x64xf32, #tpu.memory_space<hbm>>
    tpu.wait_dma2 semaphore(%arg9 : memref<!tpu.dma_semaphore, #tpu.memory_space<semaphore_mem>>) src(%arg7 : memref<640x64xf32, #tpu.memory_space<vmem>>) dst(%dma_wait3A_608 : memref<640x64xf32, #tpu.memory_space<hbm>>)
    %dma_start3A_609 = arith.constant 45 : i32
    %dma_start3A_610 = arith.constant 0 : i32
    %dma_start3A_611 = arith.constant 0 : i32
    %dma_start3A_612 = tpu.memref_slice %arg7[%dma_start3A_610, %dma_start3A_611] : memref<640x64xf32, #tpu.memory_space<vmem>> -> memref<128x64xf32, #tpu.memory_space<vmem>>
    %dma_start3A_613 = arith.constant 0 : i32
    %dma_start3A_614 = tpu.memref_slice %arg5[%dma_start3A_609, %dma_start3A_613] : memref<50x128xi32, #tpu.memory_space<vmem>> -> memref<1x128xi32, #tpu.memory_space<vmem>>
    %dma_start3A_615 = tpu.memref_squeeze %dma_start3A_614 : memref<1x128xi32, #tpu.memory_space<vmem>> -> memref<128xi32, #tpu.memory_space<vmem>>
    %dma_start3A_616 = arith.constant 0 : i32
    %dma_start3A_617 = arith.constant 0 : i32
    %dma_start3A_618 = tpu.memref_slice %arg3[%dma_start3A_616, %dma_start3A_617] : memref<1000000x64xf32, #tpu.memory_space<hbm>> -> memref<1000000x64xf32, #tpu.memory_space<hbm>>
    tpu.enqueue_indirect_dma source(%dma_start3A_618 : memref<1000000x64xf32, #tpu.memory_space<hbm>>) target(%dma_start3A_612 : memref<128x64xf32, #tpu.memory_space<vmem>>) offsets(%dma_start3A_615 : memref<128xi32, #tpu.memory_space<vmem>>) semaphore(%arg8 : memref<!tpu.dma_semaphore, #tpu.memory_space<semaphore_mem>>)
    %dma_start3A_619 = arith.constant 46 : i32
    %dma_start3A_620 = arith.constant 128 : i32
    %dma_start3A_621 = arith.constant 0 : i32
    %dma_start3A_622 = tpu.memref_slice %arg7[%dma_start3A_620, %dma_start3A_621] : memref<640x64xf32, #tpu.memory_space<vmem>> -> memref<128x64xf32, #tpu.memory_space<vmem>>
    %dma_start3A_623 = arith.constant 0 : i32
    %dma_start3A_624 = tpu.memref_slice %arg5[%dma_start3A_619, %dma_start3A_623] : memref<50x128xi32, #tpu.memory_space<vmem>> -> memref<1x128xi32, #tpu.memory_space<vmem>>
    %dma_start3A_625 = tpu.memref_squeeze %dma_start3A_624 : memref<1x128xi32, #tpu.memory_space<vmem>> -> memref<128xi32, #tpu.memory_space<vmem>>
    %dma_start3A_626 = arith.constant 0 : i32
    %dma_start3A_627 = arith.constant 0 : i32
    %dma_start3A_628 = tpu.memref_slice %arg3[%dma_start3A_626, %dma_start3A_627] : memref<1000000x64xf32, #tpu.memory_space<hbm>> -> memref<1000000x64xf32, #tpu.memory_space<hbm>>
    tpu.enqueue_indirect_dma source(%dma_start3A_628 : memref<1000000x64xf32, #tpu.memory_space<hbm>>) target(%dma_start3A_622 : memref<128x64xf32, #tpu.memory_space<vmem>>) offsets(%dma_start3A_625 : memref<128xi32, #tpu.memory_space<vmem>>) semaphore(%arg8 : memref<!tpu.dma_semaphore, #tpu.memory_space<semaphore_mem>>)
    %dma_start3A_629 = arith.constant 47 : i32
    %dma_start3A_630 = arith.constant 256 : i32
    %dma_start3A_631 = arith.constant 0 : i32
    %dma_start3A_632 = tpu.memref_slice %arg7[%dma_start3A_630, %dma_start3A_631] : memref<640x64xf32, #tpu.memory_space<vmem>> -> memref<128x64xf32, #tpu.memory_space<vmem>>
    %dma_start3A_633 = arith.constant 0 : i32
    %dma_start3A_634 = tpu.memref_slice %arg5[%dma_start3A_629, %dma_start3A_633] : memref<50x128xi32, #tpu.memory_space<vmem>> -> memref<1x128xi32, #tpu.memory_space<vmem>>
    %dma_start3A_635 = tpu.memref_squeeze %dma_start3A_634 : memref<1x128xi32, #tpu.memory_space<vmem>> -> memref<128xi32, #tpu.memory_space<vmem>>
    %dma_start3A_636 = arith.constant 0 : i32
    %dma_start3A_637 = arith.constant 0 : i32
    %dma_start3A_638 = tpu.memref_slice %arg3[%dma_start3A_636, %dma_start3A_637] : memref<1000000x64xf32, #tpu.memory_space<hbm>> -> memref<1000000x64xf32, #tpu.memory_space<hbm>>
    tpu.enqueue_indirect_dma source(%dma_start3A_638 : memref<1000000x64xf32, #tpu.memory_space<hbm>>) target(%dma_start3A_632 : memref<128x64xf32, #tpu.memory_space<vmem>>) offsets(%dma_start3A_635 : memref<128xi32, #tpu.memory_space<vmem>>) semaphore(%arg8 : memref<!tpu.dma_semaphore, #tpu.memory_space<semaphore_mem>>)
    %dma_start3A_639 = arith.constant 48 : i32
    %dma_start3A_640 = arith.constant 384 : i32
    %dma_start3A_641 = arith.constant 0 : i32
    %dma_start3A_642 = tpu.memref_slice %arg7[%dma_start3A_640, %dma_start3A_641] : memref<640x64xf32, #tpu.memory_space<vmem>> -> memref<128x64xf32, #tpu.memory_space<vmem>>
    %dma_start3A_643 = arith.constant 0 : i32
    %dma_start3A_644 = tpu.memref_slice %arg5[%dma_start3A_639, %dma_start3A_643] : memref<50x128xi32, #tpu.memory_space<vmem>> -> memref<1x128xi32, #tpu.memory_space<vmem>>
    %dma_start3A_645 = tpu.memref_squeeze %dma_start3A_644 : memref<1x128xi32, #tpu.memory_space<vmem>> -> memref<128xi32, #tpu.memory_space<vmem>>
    %dma_start3A_646 = arith.constant 0 : i32
    %dma_start3A_647 = arith.constant 0 : i32
    %dma_start3A_648 = tpu.memref_slice %arg3[%dma_start3A_646, %dma_start3A_647] : memref<1000000x64xf32, #tpu.memory_space<hbm>> -> memref<1000000x64xf32, #tpu.memory_space<hbm>>
    tpu.enqueue_indirect_dma source(%dma_start3A_648 : memref<1000000x64xf32, #tpu.memory_space<hbm>>) target(%dma_start3A_642 : memref<128x64xf32, #tpu.memory_space<vmem>>) offsets(%dma_start3A_645 : memref<128xi32, #tpu.memory_space<vmem>>) semaphore(%arg8 : memref<!tpu.dma_semaphore, #tpu.memory_space<semaphore_mem>>)
    %dma_start3A_649 = arith.constant 49 : i32
    %dma_start3A_650 = arith.constant 512 : i32
    %dma_start3A_651 = arith.constant 0 : i32
    %dma_start3A_652 = tpu.memref_slice %arg7[%dma_start3A_650, %dma_start3A_651] : memref<640x64xf32, #tpu.memory_space<vmem>> -> memref<128x64xf32, #tpu.memory_space<vmem>>
    %dma_start3A_653 = arith.constant 0 : i32
    %dma_start3A_654 = tpu.memref_slice %arg5[%dma_start3A_649, %dma_start3A_653] : memref<50x128xi32, #tpu.memory_space<vmem>> -> memref<1x128xi32, #tpu.memory_space<vmem>>
    %dma_start3A_655 = tpu.memref_squeeze %dma_start3A_654 : memref<1x128xi32, #tpu.memory_space<vmem>> -> memref<128xi32, #tpu.memory_space<vmem>>
    %dma_start3A_656 = arith.constant 0 : i32
    %dma_start3A_657 = arith.constant 0 : i32
    %dma_start3A_658 = tpu.memref_slice %arg3[%dma_start3A_656, %dma_start3A_657] : memref<1000000x64xf32, #tpu.memory_space<hbm>> -> memref<1000000x64xf32, #tpu.memory_space<hbm>>
    tpu.enqueue_indirect_dma source(%dma_start3A_658 : memref<1000000x64xf32, #tpu.memory_space<hbm>>) target(%dma_start3A_652 : memref<128x64xf32, #tpu.memory_space<vmem>>) offsets(%dma_start3A_655 : memref<128xi32, #tpu.memory_space<vmem>>) semaphore(%arg8 : memref<!tpu.dma_semaphore, #tpu.memory_space<semaphore_mem>>)
    %dma_wait3A_659 = arith.constant 0 : i32
    %dma_wait3A_660 = arith.constant 0 : i32
    %dma_wait3A_661 = tpu.memref_slice %arg3[%dma_wait3A_659, %dma_wait3A_660] : memref<1000000x64xf32, #tpu.memory_space<hbm>> -> memref<640x64xf32, #tpu.memory_space<hbm>>
    %dma_wait3A_662 = arith.constant 0 : i32
    %dma_wait3A_663 = arith.constant 0 : i32
    %dma_wait3A_664 = tpu.memref_slice %arg3[%dma_wait3A_662, %dma_wait3A_663] : memref<1000000x64xf32, #tpu.memory_space<hbm>> -> memref<640x64xf32, #tpu.memory_space<hbm>>
    tpu.wait_dma2 semaphore(%arg8 : memref<!tpu.dma_semaphore, #tpu.memory_space<semaphore_mem>>) src(%dma_wait3A_664 : memref<640x64xf32, #tpu.memory_space<hbm>>) dst(%arg6 : memref<640x64xf32, #tpu.memory_space<vmem>>)
    %mul3A_665 = arith.constant 6400 : i32
    %mul3A_666 = arith.muli %add3A, %mul3A_665 : i32
    %add3A_667 = arith.constant 5120 : i32
    %add3A_668 = arith.addi %mul3A_666, %add3A_667 : i32
    %dma_start3A_669 = arith.constant 0 : i32
    %dma_start3A_670 = tpu.memref_slice %arg4[%add3A_668, %dma_start3A_669] : memref<204800x128xf32, #tpu.memory_space<hbm>> -> memref<640x64xf32, #tpu.memory_space<hbm>>
    %dma_start3A_671 = arith.constant 0 : i32
    %dma_start3A_672 = tpu.memref_slice %arg4[%add3A_668, %dma_start3A_671] : memref<204800x128xf32, #tpu.memory_space<hbm>> -> memref<640x64xf32, #tpu.memory_space<hbm>>
    tpu.enqueue_dma source(%arg6 : memref<640x64xf32, #tpu.memory_space<vmem>>) target(%dma_start3A_672 : memref<640x64xf32, #tpu.memory_space<hbm>>) target_semaphore(%arg9 : memref<!tpu.dma_semaphore, #tpu.memory_space<semaphore_mem>>)
    %dma_wait3A_673 = arith.constant 0 : i32
    %dma_wait3A_674 = arith.constant 0 : i32
    %dma_wait3A_675 = tpu.memref_slice %arg3[%dma_wait3A_673, %dma_wait3A_674] : memref<1000000x64xf32, #tpu.memory_space<hbm>> -> memref<640x64xf32, #tpu.memory_space<hbm>>
    %dma_wait3A_676 = arith.constant 0 : i32
    %dma_wait3A_677 = arith.constant 0 : i32
    %dma_wait3A_678 = tpu.memref_slice %arg3[%dma_wait3A_676, %dma_wait3A_677] : memref<1000000x64xf32, #tpu.memory_space<hbm>> -> memref<640x64xf32, #tpu.memory_space<hbm>>
    tpu.wait_dma2 semaphore(%arg8 : memref<!tpu.dma_semaphore, #tpu.memory_space<semaphore_mem>>) src(%dma_wait3A_678 : memref<640x64xf32, #tpu.memory_space<hbm>>) dst(%arg7 : memref<640x64xf32, #tpu.memory_space<vmem>>)
    %mul3A_679 = arith.constant 6400 : i32
    %mul3A_680 = arith.muli %add3A, %mul3A_679 : i32
    %add3A_681 = arith.constant 5760 : i32
    %add3A_682 = arith.addi %mul3A_680, %add3A_681 : i32
    %dma_start3A_683 = arith.constant 0 : i32
    %dma_start3A_684 = tpu.memref_slice %arg4[%add3A_682, %dma_start3A_683] : memref<204800x128xf32, #tpu.memory_space<hbm>> -> memref<640x64xf32, #tpu.memory_space<hbm>>
    %dma_start3A_685 = arith.constant 0 : i32
    %dma_start3A_686 = tpu.memref_slice %arg4[%add3A_682, %dma_start3A_685] : memref<204800x128xf32, #tpu.memory_space<hbm>> -> memref<640x64xf32, #tpu.memory_space<hbm>>
    tpu.enqueue_dma source(%arg7 : memref<640x64xf32, #tpu.memory_space<vmem>>) target(%dma_start3A_686 : memref<640x64xf32, #tpu.memory_space<hbm>>) target_semaphore(%arg9 : memref<!tpu.dma_semaphore, #tpu.memory_space<semaphore_mem>>)
    %mul3A_687 = arith.constant 6400 : i32
    %mul3A_688 = arith.muli %add3A, %mul3A_687 : i32
    %dma_wait3A_689 = arith.constant 0 : i32
    %dma_wait3A_690 = tpu.memref_slice %arg4[%mul3A_688, %dma_wait3A_689] : memref<204800x128xf32, #tpu.memory_space<hbm>> -> memref<640x64xf32, #tpu.memory_space<hbm>>
    %dma_wait3A_691 = arith.constant 0 : i32
    %dma_wait3A_692 = tpu.memref_slice %arg4[%mul3A_688, %dma_wait3A_691] : memref<204800x128xf32, #tpu.memory_space<hbm>> -> memref<640x64xf32, #tpu.memory_space<hbm>>
    tpu.wait_dma2 semaphore(%arg9 : memref<!tpu.dma_semaphore, #tpu.memory_space<semaphore_mem>>) src(%arg7 : memref<640x64xf32, #tpu.memory_space<vmem>>) dst(%dma_wait3A_692 : memref<640x64xf32, #tpu.memory_space<hbm>>)
    %mul3A_693 = arith.constant 6400 : i32
    %mul3A_694 = arith.muli %add3A, %mul3A_693 : i32
    %dma_wait3A_695 = arith.constant 0 : i32
    %dma_wait3A_696 = tpu.memref_slice %arg4[%mul3A_694, %dma_wait3A_695] : memref<204800x128xf32, #tpu.memory_space<hbm>> -> memref<640x64xf32, #tpu.memory_space<hbm>>
    %dma_wait3A_697 = arith.constant 0 : i32
    %dma_wait3A_698 = tpu.memref_slice %arg4[%mul3A_694, %dma_wait3A_697] : memref<204800x128xf32, #tpu.memory_space<hbm>> -> memref<640x64xf32, #tpu.memory_space<hbm>>
    tpu.wait_dma2 semaphore(%arg9 : memref<!tpu.dma_semaphore, #tpu.memory_space<semaphore_mem>>) src(%arg6 : memref<640x64xf32, #tpu.memory_space<vmem>>) dst(%dma_wait3A_698 : memref<640x64xf32, #tpu.memory_space<hbm>>)
    return
  }
}

module attributes {stable_mosaic.version = 14 : i64} {
  func.func @_combine_body(%arg0: i32, %arg1: memref<4096x128xf32, #tpu.memory_space<vmem>>, %arg2: memref<4096x50xf32, #tpu.memory_space<vmem>>, %arg3: memref<4096x50xf32, #tpu.memory_space<vmem>>, %arg4: memref<4096x50xf32, #tpu.memory_space<vmem>>, %arg5: memref<2x64xf32, #tpu.memory_space<vmem>>, %arg6: memref<1x64xf32, #tpu.memory_space<vmem>>, %arg7: memref<1x64xf32, #tpu.memory_space<vmem>>, %arg8: memref<1x64xf32, #tpu.memory_space<vmem>>, %arg9: memref<1x64xf32, #tpu.memory_space<vmem>>, %arg10: memref<1x64xf32, #tpu.memory_space<vmem>>, %arg11: memref<1x64xf32, #tpu.memory_space<vmem>>, %arg12: memref<4096x64xf32, #tpu.memory_space<vmem>>) attributes {dimension_semantics = [#tpu.dimension_semantics<arbitrary>], iteration_bounds = array<i64: 50>, scalar_prefetch = 0 : i64, scratch_operands = 0 : i64, tpu.core_type = #tpu.core_type<tc>, window_params = [{transform_indices = @transform_0, window_bounds = array<i64: 4096, 128>}, {pipeline_mode = #tpu.pipeline_mode<synchronous>, transform_indices = @transform_1, window_bounds = array<i64: 4096, 50>}, {pipeline_mode = #tpu.pipeline_mode<synchronous>, transform_indices = @transform_2, window_bounds = array<i64: 4096, 50>}, {pipeline_mode = #tpu.pipeline_mode<synchronous>, transform_indices = @transform_3, window_bounds = array<i64: 4096, 50>}, {pipeline_mode = #tpu.pipeline_mode<synchronous>, transform_indices = @transform_4, window_bounds = array<i64: 2, 64>}, {pipeline_mode = #tpu.pipeline_mode<synchronous>, transform_indices = @transform_5, window_bounds = array<i64: 1, 64>}, {pipeline_mode = #tpu.pipeline_mode<synchronous>, transform_indices = @transform_6, window_bounds = array<i64: 1, 64>}, {pipeline_mode = #tpu.pipeline_mode<synchronous>, transform_indices = @transform_7, window_bounds = array<i64: 1, 64>}, {pipeline_mode = #tpu.pipeline_mode<synchronous>, transform_indices = @transform_8, window_bounds = array<i64: 1, 64>}, {pipeline_mode = #tpu.pipeline_mode<synchronous>, transform_indices = @transform_9, window_bounds = array<i64: 1, 64>}, {pipeline_mode = #tpu.pipeline_mode<synchronous>, transform_indices = @transform_10, window_bounds = array<i64: 1, 64>}, {transform_indices = @transform_11, window_bounds = array<i64: 4096, 64>}]} {
    %get3A = arith.constant 0 : index
    %get3A_0 = arith.constant 0 : index
    %get3A_1 = vector.load %arg1[%get3A, %get3A_0] : memref<4096x128xf32, #tpu.memory_space<vmem>>, vector<4096x64xf32>
    %iota3A = tpu.iota {dimensions = array<i32: 1>} : vector<1x50xi32>
    %eq3A = vector.broadcast %arg0 : i32 to vector<1x50xi32>
    %eq3A_2 = arith.cmpi eq, %iota3A, %eq3A : vector<1x50xi32>
    %convert_element_type3A = arith.extui %eq3A_2 : vector<1x50xi1> to vector<1x50xi32>
    %convert_element_type3A_3 = arith.sitofp %convert_element_type3A : vector<1x50xi32> to vector<1x50xf32>
    %get3A_4 = arith.constant 0 : index
    %get3A_5 = arith.constant 0 : index
    %get3A_6 = vector.load %arg2[%get3A_4, %get3A_5] : memref<4096x50xf32, #tpu.memory_space<vmem>>, vector<4096x50xf32>
    %mul3A = vector.broadcast %convert_element_type3A_3 : vector<1x50xf32> to vector<4096x50xf32>
    %mul3A_7 = arith.mulf %get3A_6, %mul3A : vector<4096x50xf32>
    %reduce_sum3A = arith.constant dense<0.000000e+00> : vector<4096xf32>
    %reduce_sum3A_8 = vector.multi_reduction <add>, %mul3A_7, %reduce_sum3A [1] : vector<4096x50xf32> to vector<4096xf32>
    %broadcast_in_dim3A = vector.shape_cast %reduce_sum3A_8 : vector<4096xf32> to vector<4096x1xf32>
    %get3A_9 = arith.constant 0 : index
    %get3A_10 = arith.constant 0 : index
    %get3A_11 = vector.load %arg3[%get3A_9, %get3A_10] : memref<4096x50xf32, #tpu.memory_space<vmem>>, vector<4096x50xf32>
    %mul3A_12 = vector.broadcast %convert_element_type3A_3 : vector<1x50xf32> to vector<4096x50xf32>
    %mul3A_13 = arith.mulf %get3A_11, %mul3A_12 : vector<4096x50xf32>
    %reduce_sum3A_14 = arith.constant dense<0.000000e+00> : vector<4096xf32>
    %reduce_sum3A_15 = vector.multi_reduction <add>, %mul3A_13, %reduce_sum3A_14 [1] : vector<4096x50xf32> to vector<4096xf32>
    %broadcast_in_dim3A_16 = vector.shape_cast %reduce_sum3A_15 : vector<4096xf32> to vector<4096x1xf32>
    %get3A_17 = arith.constant 0 : index
    %get3A_18 = arith.constant 0 : index
    %get3A_19 = vector.load %arg4[%get3A_17, %get3A_18] : memref<4096x50xf32, #tpu.memory_space<vmem>>, vector<4096x50xf32>
    %mul3A_20 = vector.broadcast %convert_element_type3A_3 : vector<1x50xf32> to vector<4096x50xf32>
    %mul3A_21 = arith.mulf %get3A_19, %mul3A_20 : vector<4096x50xf32>
    %reduce_sum3A_22 = arith.constant dense<0.000000e+00> : vector<4096xf32>
    %reduce_sum3A_23 = vector.multi_reduction <add>, %mul3A_21, %reduce_sum3A_22 [1] : vector<4096x50xf32> to vector<4096xf32>
    %broadcast_in_dim3A_24 = vector.shape_cast %reduce_sum3A_23 : vector<4096xf32> to vector<4096x1xf32>
    %get3A_25 = arith.constant 0 : index
    %get3A_26 = arith.constant 0 : index
    %get3A_27 = vector.load %arg5[%get3A_25, %get3A_26] : memref<2x64xf32, #tpu.memory_space<vmem>>, vector<1x64xf32>
    %get3A_28 = arith.constant 1 : index
    %get3A_29 = arith.constant 0 : index
    %get3A_30 = vector.load %arg5[%get3A_28, %get3A_29] : memref<2x64xf32, #tpu.memory_space<vmem>>, vector<1x64xf32>
    %get3A_31 = arith.constant 0 : index
    %get3A_32 = arith.constant 0 : index
    %get3A_33 = vector.load %arg5[%get3A_31, %get3A_32] : memref<2x64xf32, #tpu.memory_space<vmem>>, vector<1x64xf32>
    %sub3A = arith.subf %get3A_30, %get3A_33 : vector<1x64xf32>
    %mul3A_34 = vector.broadcast %broadcast_in_dim3A : vector<4096x1xf32> to vector<4096x64xf32>
    %mul3A_35 = vector.broadcast %sub3A : vector<1x64xf32> to vector<4096x64xf32>
    %mul3A_36 = arith.mulf %mul3A_34, %mul3A_35 : vector<4096x64xf32>
    %add3A = vector.broadcast %get3A_27 : vector<1x64xf32> to vector<4096x64xf32>
    %add3A_37 = arith.addf %add3A, %mul3A_36 : vector<4096x64xf32>
    %iota3A_38 = tpu.iota {dimensions = array<i32: 1>} : vector<1x64xi32>
    %eq3A_39 = arith.constant 0 : i32
    %eq3A_40 = vector.broadcast %eq3A_39 : i32 to vector<1x64xi32>
    %eq3A_41 = arith.cmpi eq, %iota3A_38, %eq3A_40 : vector<1x64xi32>
    %get3A_42 = arith.constant 0 : index
    %get3A_43 = arith.constant 0 : index
    %get3A_44 = vector.load %arg6[%get3A_42, %get3A_43] : memref<1x64xf32, #tpu.memory_space<vmem>>, vector<1x64xf32>
    %mul3A_45 = vector.broadcast %broadcast_in_dim3A_16 : vector<4096x1xf32> to vector<4096x64xf32>
    %mul3A_46 = vector.broadcast %get3A_44 : vector<1x64xf32> to vector<4096x64xf32>
    %mul3A_47 = arith.mulf %mul3A_45, %mul3A_46 : vector<4096x64xf32>
    %get3A_48 = arith.constant 0 : index
    %get3A_49 = arith.constant 0 : index
    %get3A_50 = vector.load %arg7[%get3A_48, %get3A_49] : memref<1x64xf32, #tpu.memory_space<vmem>>, vector<1x64xf32>
    %add3A_51 = vector.broadcast %get3A_50 : vector<1x64xf32> to vector<4096x64xf32>
    %add3A_52 = arith.addf %mul3A_47, %add3A_51 : vector<4096x64xf32>
    %mul3A_53 = arith.constant 0.318309873 : f32
    %mul3A_54 = vector.broadcast %mul3A_53 : f32 to vector<4096x64xf32>
    %mul3A_55 = arith.mulf %add3A_52, %mul3A_54 : vector<4096x64xf32>
    %round3A = math.roundeven %mul3A_55 : vector<4096x64xf32>
    %mul3A_56 = arith.constant 3.14159274 : f32
    %mul3A_57 = vector.broadcast %mul3A_56 : f32 to vector<4096x64xf32>
    %mul3A_58 = arith.mulf %round3A, %mul3A_57 : vector<4096x64xf32>
    %sub3A_59 = arith.subf %add3A_52, %mul3A_58 : vector<4096x64xf32>
    %mul3A_60 = arith.constant -8.74227765E-8 : f32
    %mul3A_61 = vector.broadcast %mul3A_60 : f32 to vector<4096x64xf32>
    %mul3A_62 = arith.mulf %round3A, %mul3A_61 : vector<4096x64xf32>
    %sub3A_63 = arith.subf %sub3A_59, %mul3A_62 : vector<4096x64xf32>
    %convert_element_type3A_64 = arith.fptosi %round3A : vector<4096x64xf32> to vector<4096x64xi32>
    %and3A = arith.constant 1 : i32
    %and3A_65 = vector.broadcast %and3A : i32 to vector<4096x64xi32>
    %and3A_66 = arith.andi %convert_element_type3A_64, %and3A_65 : vector<4096x64xi32>
    %shift_left3A = arith.constant 31 : i32
    %shift_left3A_67 = vector.broadcast %shift_left3A : i32 to vector<4096x64xi32>
    %shift_left3A_68 = arith.shli %and3A_66, %shift_left3A_67 : vector<4096x64xi32>
    %mul3A_69 = arith.mulf %sub3A_63, %sub3A_63 : vector<4096x64xf32>
    %mul3A_70 = arith.constant 2.75573188E-6 : f32
    %mul3A_71 = vector.broadcast %mul3A_70 : f32 to vector<4096x64xf32>
    %mul3A_72 = arith.mulf %mul3A_69, %mul3A_71 : vector<4096x64xf32>
    %add3A_73 = arith.constant -1.98412701E-4 : f32
    %add3A_74 = vector.broadcast %add3A_73 : f32 to vector<4096x64xf32>
    %add3A_75 = arith.addf %add3A_74, %mul3A_72 : vector<4096x64xf32>
    %mul3A_76 = arith.mulf %mul3A_69, %add3A_75 : vector<4096x64xf32>
    %add3A_77 = arith.constant 0.00833333377 : f32
    %add3A_78 = vector.broadcast %add3A_77 : f32 to vector<4096x64xf32>
    %add3A_79 = arith.addf %add3A_78, %mul3A_76 : vector<4096x64xf32>
    %mul3A_80 = arith.mulf %mul3A_69, %add3A_79 : vector<4096x64xf32>
    %add3A_81 = arith.constant -0.166666672 : f32
    %add3A_82 = vector.broadcast %add3A_81 : f32 to vector<4096x64xf32>
    %add3A_83 = arith.addf %add3A_82, %mul3A_80 : vector<4096x64xf32>
    %mul3A_84 = arith.mulf %mul3A_69, %add3A_83 : vector<4096x64xf32>
    %mul3A_85 = arith.mulf %sub3A_63, %mul3A_84 : vector<4096x64xf32>
    %add3A_86 = arith.addf %sub3A_63, %mul3A_85 : vector<4096x64xf32>
    %bitcast_convert_type3A = tpu.bitcast %add3A_86 : vector<4096x64xf32> -> vector<4096x64xi32>
    %xor3A = arith.xori %bitcast_convert_type3A, %shift_left3A_68 : vector<4096x64xi32>
    %bitcast_convert_type3A_87 = tpu.bitcast %xor3A : vector<4096x64xi32> -> vector<4096x64xf32>
    %broadcast_in_dim3A_88 = vector.shape_cast %eq3A_41 : vector<1x64xi1> to vector<1x64xi1>
    %broadcast_in_dim3A_89 = vector.broadcast %broadcast_in_dim3A_88 : vector<1x64xi1> to vector<4096x64xi1>
    %select_n3A = arith.select %broadcast_in_dim3A_89, %add3A_52, %bitcast_convert_type3A_87 : vector<4096x64xi1>, vector<4096x64xf32>
    %get3A_90 = arith.constant 0 : index
    %get3A_91 = arith.constant 0 : index
    %get3A_92 = vector.load %arg8[%get3A_90, %get3A_91] : memref<1x64xf32, #tpu.memory_space<vmem>>, vector<1x64xf32>
    %mul3A_93 = vector.broadcast %broadcast_in_dim3A_24 : vector<4096x1xf32> to vector<4096x64xf32>
    %mul3A_94 = vector.broadcast %get3A_92 : vector<1x64xf32> to vector<4096x64xf32>
    %mul3A_95 = arith.mulf %mul3A_93, %mul3A_94 : vector<4096x64xf32>
    %get3A_96 = arith.constant 0 : index
    %get3A_97 = arith.constant 0 : index
    %get3A_98 = vector.load %arg9[%get3A_96, %get3A_97] : memref<1x64xf32, #tpu.memory_space<vmem>>, vector<1x64xf32>
    %add3A_99 = vector.broadcast %get3A_98 : vector<1x64xf32> to vector<4096x64xf32>
    %add3A_100 = arith.addf %mul3A_95, %add3A_99 : vector<4096x64xf32>
    %mul3A_101 = arith.constant 0.318309873 : f32
    %mul3A_102 = vector.broadcast %mul3A_101 : f32 to vector<4096x64xf32>
    %mul3A_103 = arith.mulf %add3A_100, %mul3A_102 : vector<4096x64xf32>
    %round3A_104 = math.roundeven %mul3A_103 : vector<4096x64xf32>
    %mul3A_105 = arith.constant 3.14159274 : f32
    %mul3A_106 = vector.broadcast %mul3A_105 : f32 to vector<4096x64xf32>
    %mul3A_107 = arith.mulf %round3A_104, %mul3A_106 : vector<4096x64xf32>
    %sub3A_108 = arith.subf %add3A_100, %mul3A_107 : vector<4096x64xf32>
    %mul3A_109 = arith.constant -8.74227765E-8 : f32
    %mul3A_110 = vector.broadcast %mul3A_109 : f32 to vector<4096x64xf32>
    %mul3A_111 = arith.mulf %round3A_104, %mul3A_110 : vector<4096x64xf32>
    %sub3A_112 = arith.subf %sub3A_108, %mul3A_111 : vector<4096x64xf32>
    %convert_element_type3A_113 = arith.fptosi %round3A_104 : vector<4096x64xf32> to vector<4096x64xi32>
    %and3A_114 = arith.constant 1 : i32
    %and3A_115 = vector.broadcast %and3A_114 : i32 to vector<4096x64xi32>
    %and3A_116 = arith.andi %convert_element_type3A_113, %and3A_115 : vector<4096x64xi32>
    %shift_left3A_117 = arith.constant 31 : i32
    %shift_left3A_118 = vector.broadcast %shift_left3A_117 : i32 to vector<4096x64xi32>
    %shift_left3A_119 = arith.shli %and3A_116, %shift_left3A_118 : vector<4096x64xi32>
    %mul3A_120 = arith.mulf %sub3A_112, %sub3A_112 : vector<4096x64xf32>
    %mul3A_121 = arith.constant 2.75573188E-6 : f32
    %mul3A_122 = vector.broadcast %mul3A_121 : f32 to vector<4096x64xf32>
    %mul3A_123 = arith.mulf %mul3A_120, %mul3A_122 : vector<4096x64xf32>
    %add3A_124 = arith.constant -1.98412701E-4 : f32
    %add3A_125 = vector.broadcast %add3A_124 : f32 to vector<4096x64xf32>
    %add3A_126 = arith.addf %add3A_125, %mul3A_123 : vector<4096x64xf32>
    %mul3A_127 = arith.mulf %mul3A_120, %add3A_126 : vector<4096x64xf32>
    %add3A_128 = arith.constant 0.00833333377 : f32
    %add3A_129 = vector.broadcast %add3A_128 : f32 to vector<4096x64xf32>
    %add3A_130 = arith.addf %add3A_129, %mul3A_127 : vector<4096x64xf32>
    %mul3A_131 = arith.mulf %mul3A_120, %add3A_130 : vector<4096x64xf32>
    %add3A_132 = arith.constant -0.166666672 : f32
    %add3A_133 = vector.broadcast %add3A_132 : f32 to vector<4096x64xf32>
    %add3A_134 = arith.addf %add3A_133, %mul3A_131 : vector<4096x64xf32>
    %mul3A_135 = arith.mulf %mul3A_120, %add3A_134 : vector<4096x64xf32>
    %mul3A_136 = arith.mulf %sub3A_112, %mul3A_135 : vector<4096x64xf32>
    %add3A_137 = arith.addf %sub3A_112, %mul3A_136 : vector<4096x64xf32>
    %bitcast_convert_type3A_138 = tpu.bitcast %add3A_137 : vector<4096x64xf32> -> vector<4096x64xi32>
    %xor3A_139 = arith.xori %bitcast_convert_type3A_138, %shift_left3A_119 : vector<4096x64xi32>
    %bitcast_convert_type3A_140 = tpu.bitcast %xor3A_139 : vector<4096x64xi32> -> vector<4096x64xf32>
    %broadcast_in_dim3A_141 = vector.shape_cast %eq3A_41 : vector<1x64xi1> to vector<1x64xi1>
    %broadcast_in_dim3A_142 = vector.broadcast %broadcast_in_dim3A_141 : vector<1x64xi1> to vector<4096x64xi1>
    %select_n3A_143 = arith.select %broadcast_in_dim3A_142, %add3A_100, %bitcast_convert_type3A_140 : vector<4096x64xi1>, vector<4096x64xf32>
    %add3A_144 = arith.addf %get3A_1, %add3A_37 : vector<4096x64xf32>
    %add3A_145 = arith.addf %add3A_144, %select_n3A : vector<4096x64xf32>
    %add3A_146 = arith.addf %add3A_145, %select_n3A_143 : vector<4096x64xf32>
    %reduce_sum3A_147 = arith.constant dense<0.000000e+00> : vector<4096xf32>
    %reduce_sum3A_148 = vector.multi_reduction <add>, %add3A_146, %reduce_sum3A_147 [1] : vector<4096x64xf32> to vector<4096xf32>
    %broadcast_in_dim3A_149 = vector.shape_cast %reduce_sum3A_148 : vector<4096xf32> to vector<4096x1xf32>
    %div3A = arith.constant 6.400000e+01 : f32
    %div3A_150 = vector.broadcast %div3A : f32 to vector<4096x1xf32>
    %div3A_151 = arith.divf %broadcast_in_dim3A_149, %div3A_150 : vector<4096x1xf32>
    %sub3A_152 = vector.broadcast %div3A_151 : vector<4096x1xf32> to vector<4096x64xf32>
    %sub3A_153 = arith.subf %add3A_146, %sub3A_152 : vector<4096x64xf32>
    %mul3A_154 = arith.mulf %sub3A_153, %sub3A_153 : vector<4096x64xf32>
    %reduce_sum3A_155 = arith.constant dense<0.000000e+00> : vector<4096xf32>
    %reduce_sum3A_156 = vector.multi_reduction <add>, %mul3A_154, %reduce_sum3A_155 [1] : vector<4096x64xf32> to vector<4096xf32>
    %broadcast_in_dim3A_157 = vector.shape_cast %reduce_sum3A_156 : vector<4096xf32> to vector<4096x1xf32>
    %div3A_158 = arith.constant 6.400000e+01 : f32
    %div3A_159 = vector.broadcast %div3A_158 : f32 to vector<4096x1xf32>
    %div3A_160 = arith.divf %broadcast_in_dim3A_157, %div3A_159 : vector<4096x1xf32>
    %add3A_161 = arith.constant 9.99999996E-13 : f32
    %add3A_162 = vector.broadcast %add3A_161 : f32 to vector<4096x1xf32>
    %add3A_163 = arith.addf %div3A_160, %add3A_162 : vector<4096x1xf32>
    %rsqrt3A = math.rsqrt %add3A_163 : vector<4096x1xf32>
    %mul3A_164 = vector.broadcast %rsqrt3A : vector<4096x1xf32> to vector<4096x64xf32>
    %mul3A_165 = arith.mulf %sub3A_153, %mul3A_164 : vector<4096x64xf32>
    %get3A_166 = arith.constant 0 : index
    %get3A_167 = arith.constant 0 : index
    %get3A_168 = vector.load %arg10[%get3A_166, %get3A_167] : memref<1x64xf32, #tpu.memory_space<vmem>>, vector<1x64xf32>
    %mul3A_169 = vector.broadcast %get3A_168 : vector<1x64xf32> to vector<4096x64xf32>
    %mul3A_170 = arith.mulf %mul3A_165, %mul3A_169 : vector<4096x64xf32>
    %get3A_171 = arith.constant 0 : index
    %get3A_172 = arith.constant 0 : index
    %get3A_173 = vector.load %arg11[%get3A_171, %get3A_172] : memref<1x64xf32, #tpu.memory_space<vmem>>, vector<1x64xf32>
    %add3A_174 = vector.broadcast %get3A_173 : vector<1x64xf32> to vector<4096x64xf32>
    %add3A_175 = arith.addf %mul3A_170, %add3A_174 : vector<4096x64xf32>
    %swap3A = arith.constant 0 : index
    %swap3A_176 = arith.constant 0 : index
    %swap3A_177 = vector.load %arg12[%swap3A, %swap3A_176] : memref<4096x64xf32, #tpu.memory_space<vmem>>, vector<4096x64xf32>
    tpu.vector_store %arg12[%swap3A, %swap3A_176], %add3A_175 {strides = array<i32>} : memref<4096x64xf32, #tpu.memory_space<vmem>>, vector<4096x64xf32>,
    return
  }
  func.func @transform_0(%arg0: i32) -> (i32, i32) {
    %c0_i32 = arith.constant 0 : i32
    %c0_i32_0 = arith.constant 0 : i32
    return %arg0, %c0_i32 : i32, i32
  }
  func.func @transform_1(%arg0: i32) -> (i32, i32) {
    %c0_i32 = arith.constant 0 : i32
    %c0_i32_0 = arith.constant 0 : i32
    %c0_i32_1 = arith.constant 0 : i32
    return %c0_i32, %c0_i32_0 : i32, i32
  }
  func.func @transform_2(%arg0: i32) -> (i32, i32) {
    %c0_i32 = arith.constant 0 : i32
    %c0_i32_0 = arith.constant 0 : i32
    %c0_i32_1 = arith.constant 0 : i32
    return %c0_i32, %c0_i32_0 : i32, i32
  }
  func.func @transform_3(%arg0: i32) -> (i32, i32) {
    %c0_i32 = arith.constant 0 : i32
    %c0_i32_0 = arith.constant 0 : i32
    %c0_i32_1 = arith.constant 0 : i32
    return %c0_i32, %c0_i32_0 : i32, i32
  }
  func.func @transform_4(%arg0: i32) -> (i32, i32) {
    %c0_i32 = arith.constant 0 : i32
    %c0_i32_0 = arith.constant 0 : i32
    %c0_i32_1 = arith.constant 0 : i32
    return %c0_i32, %c0_i32_0 : i32, i32
  }
  func.func @transform_5(%arg0: i32) -> (i32, i32) {
    %c0_i32 = arith.constant 0 : i32
    %c0_i32_0 = arith.constant 0 : i32
    %c0_i32_1 = arith.constant 0 : i32
    return %c0_i32, %c0_i32_0 : i32, i32
  }
  func.func @transform_6(%arg0: i32) -> (i32, i32) {
    %c0_i32 = arith.constant 0 : i32
    %c0_i32_0 = arith.constant 0 : i32
    %c0_i32_1 = arith.constant 0 : i32
    return %c0_i32, %c0_i32_0 : i32, i32
  }
  func.func @transform_7(%arg0: i32) -> (i32, i32) {
    %c0_i32 = arith.constant 0 : i32
    %c0_i32_0 = arith.constant 0 : i32
    %c0_i32_1 = arith.constant 0 : i32
    return %c0_i32, %c0_i32_0 : i32, i32
  }
  func.func @transform_8(%arg0: i32) -> (i32, i32) {
    %c0_i32 = arith.constant 0 : i32
    %c0_i32_0 = arith.constant 0 : i32
    %c0_i32_1 = arith.constant 0 : i32
    return %c0_i32, %c0_i32_0 : i32, i32
  }
  func.func @transform_9(%arg0: i32) -> (i32, i32) {
    %c0_i32 = arith.constant 0 : i32
    %c0_i32_0 = arith.constant 0 : i32
    %c0_i32_1 = arith.constant 0 : i32
    return %c0_i32, %c0_i32_0 : i32, i32
  }
  func.func @transform_10(%arg0: i32) -> (i32, i32) {
    %c0_i32 = arith.constant 0 : i32
    %c0_i32_0 = arith.constant 0 : i32
    %c0_i32_1 = arith.constant 0 : i32
    return %c0_i32, %c0_i32_0 : i32, i32
  }
  func.func @transform_11(%arg0: i32) -> (i32, i32) {
    %c0_i32 = arith.constant 0 : i32
    %c0_i32_0 = arith.constant 0 : i32
    return %arg0, %c0_i32 : i32, i32
  }
}

</mosaic_0001>

<sc_bundles>
// kernel: kernel.4.cloned.1.call-start
scs
__scs_entry_jumppad:
0x0: {  	(pc) =	sbr.rel $0x88, $3  }
0x1: {  	(tag) =	ssettag $0x0;
	lr =	simm.s32 $0x1  }
0x2: {  	[smem:$0x3F91] =	sst lr;
	_ =	strace $0xD0000000  }
0x3: {  	_ = 	snop  }
0x4: {  	_ = 	snop  }
0x5: {  	_ = 	snop  }
0x6: {  	_ = 	snop  }
0x7: {  	_ = 	snop  }
__scs_overlays_trampoline_lowered:
0x8: {  	[smem:$0x3FA0] =	sst s0  }
0x9: {  	[smem:$0x3FA1] =	sst s1  }
0xa: {  	[smem:$0x3FA2] =	sst s2  }
0xb: {  	[smem:$0x3FA3] =	sst s3  }
0xc: {  	[smem:$0x3FA4] =	sst s4  }
0xd: {  	[smem:$0x3FA5] =	sst s5  }
0xe: {  	[smem:$0x3FA6] =	sst s6  }
0xf: {  	[smem:$0x3FA7] =	sst s7  }
0x10: {  	[smem:$0x3FA8] =	sst s8  }
0x11: {  	[smem:$0x3FA9] =	sst s9;
	s0 =	simm.s32 @!p0 $0x0  }
0x12: {  	s1 =	sld [smem:$0x3F8F];
	s0 =	simm.s32 @p0 $0x1  }
0x13: {  	[smem:$0x3FAA] =	sst s0;
	s0 =	simm.s32 @!p1 $0x0  }
0x14: {  	s2 =	sld [smem:$0x3F8E];
	s0 =	simm.s32 @p1 $0x1  }
0x15: {  	[smem:$0x3FAB] =	sst s0;
	s0 =	simm.s32 @!p2 $0x0  }
0x16: {  	s3 =	sld [smem:$0x3FDB];
	s0 =	simm.s32 @p2 $0x1  }
0x17: {  	s4 =	simm.s32 $0x1BF5;
	[smem:$0x3FAD] =	sst s0  }
0x18: {  	s0 =	sld [smem:$0x3F90];
	_ =	swait.ge [sflag:s4], $0x0  }
0x19: {  	s7 =	sld [smem:$0x3F91]  }
0x1a: {  	s8 =	sadd.s32 $0xFFFFE003, lr  }
0x1b: {  	s9 =	sadd.s32 $0xFFFFFEF7, lr;
	s5 =	simm.s32 $0xFFFFFFFF;
	p2 =	slt.u32 s8, $0xFFFFF086  }
0x1c: {  	p1 =	slt.u32 s9, $0xF7A;
	s5 =	simm.s32 @!p2 $0x0  }
0x1d: {  	s5 =	simm.s32 @p1 $0x1;
	p0 =	seq.s32 s7, s2  }
0x1e: {  	s7 =	smul.u32 @!p0 $0xF7A, s2;
	p2 =	seq.s32 @!p0 s5, $0x0  }
0x1f: {  	s9 =	smul.u32 $0xF7A, s1;
	s8 =	simm.s32 @!p0 $0x1BF5;
	p2 =	por !p2, p0  }
0x20: {  	[sflag:s8] =	ssyncset.s32 @!p0 $0xFFFFF086;
	s6 =	sadd.s32 @!p0 s3, s7;
	s7 =	simm.s32 @!p0 $0x108  }
0x21: {  	s3 =	sadd.s32 s3, s9;
	s6 =	sadd.s32 @!p0 $0x88, s6;
	s7 =	simm.s32 @p2 $0x1082  }
0x22: {  	[simem:s7], [sflag:s8] =	dma.local @!p0 [hbm:s6], $0xF7A  }
0x23: {  	s9 =	sor.u32 $0xD0000000, s2;
	s6 =	simm.s32 $0x108;
	_ =	swait.ge @!p0 [sflag:s8], $0x0  }
0x24: {  	s3 =	sadd.s32 $0x88, s3;
	s6 =	simm.s32 @!p1 $0x1082;
	[sflag:s4] =	ssyncset.s32 $0xFFFFF086  }
0x25: {  	[simem:s6], [sflag:s4] =	dma.local [hbm:s3], $0xF7A  }
0x26: {  	[smem:$0x3F91] =	sst s1;
	(tag) =	ssettag s2;
	_ =	strace s9  }
0x27: {  	s1 =	sld [smem:$0x3FA1]  }
0x28: {  	s2 =	sld [smem:$0x3FA2]  }
0x29: {  	s4 =	sld [smem:$0x3FA4]  }
0x2a: {  	p0 =	seq.s32 s5, $0x0;
	s5 =	sld [smem:$0x3FA5]  }
0x2b: {  	s6 =	sld [smem:$0x3FA6]  }
0x2c: {  	s7 =	sld [smem:$0x3FA7]  }
0x2d: {  	s3 =	simm.s32 $0x108;
	s8 =	sld [smem:$0x3FA8]  }
0x2e: {  	s3 =	simm.s32 @!p0 $0x1082;
	s9 =	sld [smem:$0x3FA9]  }
0x2f: {  	lr =	sadd.s32 s0, s3;
	s0 =	sld [smem:$0x3FA0]  }
0x30: {  	s3 =	sld [smem:$0x3FA3]  }
0x31: {  	[smem:$0x3FAC] =	sst s10  }
0x32: {  	s10 =	sld [smem:$0x3FAA];
	_ =	sdelay $0x3  }
0x33: {  	p0 =	seq.s32 s10, $0x1;
	s10 =	sld [smem:$0x3FAC];
	_ =	sdelay $0x3  }
0x34: {  	[smem:$0x3FAC] =	sst s10  }
0x35: {  	s10 =	sld [smem:$0x3FAB];
	_ =	sdelay $0x3  }
0x36: {  	p1 =	seq.s32 s10, $0x1;
	s10 =	sld [smem:$0x3FAC];
	_ =	sdelay $0x3  }
0x37: {  	[smem:$0x3FAC] =	sst s10  }
0x38: {  	s10 =	sld [smem:$0x3FAD]  }
0x39: {  	_ = 	snop;
	(pc) =	sbr.ind lr, $3  }
0x3a: {  	_ = 	snop  }
0x3b: {  	_ = 	snop  }
0x3c: {  	p2 =	seq.s32 s10, $0x1;
	s10 =	sld [smem:$0x3FAC]  }
0x3d: {  	_ =	shalt  }
0x3e: {  	_ =	shalt  }
0x3f: {  	_ =	shalt  }
0x40: {  	_ =	shalt  }
0x41: {  	_ =	shalt  }
0x42: {  	_ =	shalt  }
0x43: {  	_ =	shalt  }
0x44: {  	_ =	shalt  }
0x45: {  	_ =	shalt  }
0x46: {  	_ =	shalt  }
0x47: {  	_ =	shalt  }
0x48: {  	_ =	shalt  }
0x49: {  	_ =	shalt  }
0x4a: {  	_ =	shalt  }
0x4b: {  	_ =	shalt  }
0x4c: {  	_ =	shalt  }
0x4d: {  	_ =	shalt  }
0x4e: {  	_ =	shalt  }
0x4f: {  	_ =	shalt  }
0x50: {  	_ =	shalt  }
0x51: {  	_ =	shalt  }
0x52: {  	_ =	shalt  }
0x53: {  	_ =	shalt  }
0x54: {  	_ =	shalt  }
0x55: {  	_ =	shalt  }
0x56: {  	_ =	shalt  }
0x57: {  	_ =	shalt  }
0x58: {  	_ =	shalt  }
0x59: {  	_ =	shalt  }
0x5a: {  	_ =	shalt  }
0x5b: {  	_ =	shalt  }
0x5c: {  	_ =	shalt  }
0x5d: {  	_ =	shalt  }
0x5e: {  	_ =	shalt  }
0x5f: {  	_ =	shalt  }
0x60: {  	_ =	shalt  }
0x61: {  	_ =	shalt  }
0x62: {  	_ =	shalt  }
0x63: {  	_ =	shalt  }
0x64: {  	_ =	shalt  }
0x65: {  	_ =	shalt  }
0x66: {  	_ =	shalt  }
0x67: {  	_ =	shalt  }
0x68: {  	_ =	shalt  }
0x69: {  	_ =	shalt  }
0x6a: {  	_ =	shalt  }
0x6b: {  	_ =	shalt  }
0x6c: {  	_ =	shalt  }
0x6d: {  	_ =	shalt  }
0x6e: {  	_ =	shalt  }
0x6f: {  	_ =	shalt  }
0x70: {  	_ =	shalt  }
0x71: {  	_ =	shalt  }
0x72: {  	_ =	shalt  }
0x73: {  	_ =	shalt  }
0x74: {  	_ =	shalt  }
0x75: {  	_ =	shalt  }
0x76: {  	_ =	shalt  }
0x77: {  	_ =	shalt  }
0x78: {  	_ =	shalt  }
0x79: {  	_ =	shalt  }
0x7a: {  	_ =	shalt  }
0x7b: {  	_ =	shalt  }
0x7c: {  	_ =	shalt  }
0x7d: {  	_ =	shalt  }
0x7e: {  	_ =	shalt  }
0x7f: {  	_ =	shalt  }
0x80: {  	_ =	shalt  }
0x81: {  	_ =	shalt  }
0x82: {  	_ =	shalt  }
0x83: {  	_ =	shalt  }
0x84: {  	_ =	shalt  }
0x85: {  	_ =	shalt  }
0x86: {  	_ =	shalt  }
0x87: {  	_ =	shalt  }
.Lfunc_end0:
.L_simem_size_0:
called_computation.1_lowered:
.L_overlay_start_0:
0x88: {  	s2 =	sld [smem:$0x3FD9]  }
0x89: {  	s3 =	sld [smem:$0x3FFE];
	_ =	sdelay $0x1  }
0x8a: {  	s1 =	srdreg.scid  }
0x8b: {  	s0 =	sand.u32 $0x1, s1  }
0x8c: {  	s17 =	sshll.u32 s0, $0xA;
	s2 =	sadd.s32 s3, s2  }
0x8d: {  	s2 =	sadd.s32 s2, s17  }
0x8e: {  	[smem:$0x3FB8] =	sst s2  }
0x8f: {  	_ = 	snop  }
0x90: {  	s2 =	sld [smem:$0x3FD0];
	(tm) =	ssettm $0x1  }
0x91: {  	s18 =	sld [smem:$0x3FFB];
	_ =	sdelay $0x3  }
0x92: {  	_ =	strace s18  }
0x93: {  	s3 =	sld [smem:$0x3FFC];
	_ =	sdelay $0x3  }
0x94: {  	_ =	strace s3  }
0x95: {  	s3 =	sld [smem:$0x3FFD];
	_ =	sdelay $0x3  }
0x96: {  	_ =	strace s3  }
0x97: {  	_ =	strace $0x8FFFFFFF  }
0x98: {  	s19 =	sld [smem:$0x3FDB];
	_ =	sdelay $0x1  }
0x99: {  	s4 =	simm.s32 $_scs_section_size  }
0x9a: {  	s5 =	simm.s32 $_size__tile_overlayer_lowered;
	s6 =	simm.s32 $_tile_overlayer_lowered  }
0x9b: {  	s22 =	simm.s32 $0x1BFF;
	s21 =	sshll.u32 s6, $0x1;
	s3 =	sadd.s32 s4, s19  }
0x9c: {  	s7 =	simm.s32 $0x0;
	s20 =	sshll.u32 s5, $0x1;
	s5 =	sadd.s32 s21, s3  }
0x9d: {  	[timem:s7], [sflag:s22] =	dma.local [hbm:s5], s20  }
0x9e: {  	_ =	swait.ge [sflag:s22], s20  }
0x9f: {  	s4 =	ssub.s32 $0x0, s20;
	[sflag:s22] =	ssyncset.done $0x0  }
0xa0: {  	[sflag:s22] =	ssyncadd.s32 s4;
	_ =	sdelay $0x1  }
0xa1: {  	s23 =	simm.s32 $0x1B8B  }
0xa2: {  	_ =	swait.ge [sflag:s23], $0x1  }
0xa3: {  	[sflag:s23] =	ssyncset.done $0x0  }
0xa4: {  	s25 =	simm.s32 $0x1B8E;
	s24 =	sld [smem:$0x3FFE];
	[sflag:s23] =	ssyncadd.s32 $0xFFFFFFFF  }
0xa5: {  	s26 =	simm.s32 $execute0_lowered;
	[smem:$0x3FD2] =	sst s25  }
0xa6: {  	s5 =	sshll.u32 s26, $0x1;
	_ =	strace $0x80000046;
	[dreg:$0x1] =	wrdreg $0xFFFFFFFF  }
0xa7: {  	s28 =	simm.s32 $_size_execute0_lowered;
	s3 =	sadd.s32 s3, s5;
	[dreg:$0x0] =	wrdreg $0x0  }
0xa8: {  	s5 =	sshll.u32 s28, $0x1;
	[dreg:$0x2] =	wrdreg s3  }
0xa9: {  	[dreg:$0x3] =	wrdreg s5  }
0xaa: {  	[dreg:$0x4] =	wrdreg $0xC0  }
0xab: {  	_ =	task [dreg:s7], $0x5FFFF  }
0xac: {  	[dreg:$0x1] =	wrdreg $0xFFFFFFFF  }
0xad: {  	[dreg:$0x0] =	wrdreg $0x60  }
0xae: {  	[dreg:$0x2] =	wrdreg s2  }
0xaf: {  	[dreg:$0x3] =	wrdreg s24  }
0xb0: {  	[dreg:$0x4] =	wrdreg $0x9  }
0xb1: {  	_ =	task.clear_ibuf [dreg:s7], $0x5FFFF;
	_ =	strace $0x90000046  }
0xb2: {  	s29 =	simm.s32 $0x9;
	_ =	strace $0x80000048  }
0xb3: {  	_ =	swait.ge [sflag:s29], $0x1  }
0xb4: {  	[sflag:s29] =	ssyncadd.s32 $0xFFFFFFFF  }
0xb5: {  	_ =	strace $0x90000048  }
0xb6: {  	_ =	sfence  }
0xb7: {  	s30 =	sld [smem:$0x0];
	_ =	sdelay $0x2  }
0xb8: {  	s31 =	sshll.u32 s1, $0xD;
	s1 =	sshrl.u32 s1, $0x2  }
0xb9: {  	s3 =	sand.u32 $0x4000, s31;
	s1 =	sadd.s32 s1, s30  }
0xba: {  	s0 =	sor.u32 s3, s0;
	s1 =	sshll.u32 s1, $0x11  }
0xbb: {  	s0 =	sor.u32 s1, s0  }
0xbc: {  	s0 =	sadd.s32 $0x8F2B, s0  }
0xbd: {  	[sflag:s0] =	ssyncadd.remote.s32 $0x1  }
0xbe: {  	_ =	sfence.sel $0xFFFF  }
0xbf: {  	[dreg:$0x0] =	wrdreg $0xFFFFFFFF;
	(pc) =	sbr.abs _section_cstart, $3  }
0xc0: {  	[dreg:$0x1] =	wrdreg $0xFFFFFFFF  }
0xc1: {  	_ =	task.clear_ibuf [dreg:s7], $0x2FFFF;
	_ =	strace $0x9FFFFFFF  }
0xc2: {  	(tm) =	ssettm $0x7FFFFFFF  }
0xc3: {  	_ =	shalt  }
tec
execute0_lowered:
.L_overlay_start_1:
0x0: {  	(tag) =	ssettag $0x1  }
0x1: {  	s3 =	rddreg [dreg:$0x0]  }
0x2: {  	s2 =	rddreg [dreg:$0x1];
	s28 =	simm.s32 $0x0  }
0x3: {  	s12 =	simm.s32 $0x100;
	[smem:$0x7FF] =	sst s28  }
0x4: {  	s13 =	simm.s32 $0x180;
	_ =	strace $0x80000047;
	[dreg:$0xe] =	wrdreg s12  }
0x5: {  	s14 =	simm.s32 $0x200;
	[dreg:$0xf] =	wrdreg s13  }
0x6: {  	s15 =	simm.s32 $0x280;
	[dreg:$0x10] =	wrdreg s14  }
0x7: {  	s16 =	simm.s32 $0x300;
	[dreg:$0x11] =	wrdreg s15  }
0x8: {  	s18 =	simm.s32 $0x380;
	[dreg:$0x12] =	wrdreg s16  }
0x9: {  	s0 =	srdreg.scid;
	s19 =	simm.s32 $0x400;
	[dreg:$0x13] =	wrdreg s18  }
0xa: {  	s17 =	stileid.u32;
	s20 =	simm.s32 $0x480;
	[dreg:$0x14] =	wrdreg s19  }
0xb: {  	s21 =	simm.s32 $0x500;
	s22 =	simm.s32 $0x580;
	[dreg:$0x15] =	wrdreg s20  }
0xc: {  	s1 =	sand.u32 $0x1, s0;
	s23 =	sshll.u32 s17, $0x1;
	[dreg:$0x16] =	wrdreg s21  }
0xd: {  	s0 =	sor.u32 s1, s23;
	[dreg:$0x17] =	wrdreg s22;
	s23 =	simm.s32 $0x600  }
0xe: {  	s12 =	simm.s32 $0xC00;
	[dreg:$0x18] =	wrdreg s23  }
0xf: {  	s13 =	simm.s32 $0xC80;
	[smem:$0x7F0] =	sst s12  }
0x10: {  	s14 =	simm.s32 $0xD00;
	[smem:$0x7F1] =	sst s13  }
0x11: {  	s15 =	simm.s32 $0xD80;
	[smem:$0x7F2] =	sst s14  }
0x12: {  	s16 =	simm.s32 $0xE00;
	[smem:$0x7F3] =	sst s15  }
0x13: {  	s18 =	simm.s32 $0xE80;
	[smem:$0x7F4] =	sst s16  }
0x14: {  	s19 =	simm.s32 $0xF00;
	[smem:$0x7F5] =	sst s18  }
0x15: {  	s20 =	simm.s32 $0xF80;
	[smem:$0x7F6] =	sst s19  }
0x16: {  	s21 =	simm.s32 $0x1000;
	s4 =	smul.u32 $0x320, s0;
	[smem:$0x7F7] =	sst s20  }
0x17: {  	s22 =	simm.s32 $0x1080;
	s5 =	smul.u32 $0xC8000, s0;
	[smem:$0x7F8] =	sst s21  }
0x18: {  	s0 =	smul.u32 $0x19000, s0;
	[smem:$0x7F9] =	sst s22;
	s23 =	simm.s32 $0x1100  }
0x19: {  	s6 =	sadd.s32 $0x2200, s2;
	[smem:$0x7FA] =	sst s23;
	s3 =	sadd.s32 s3, s4  }
0x1a: {  	s24 =	sshrl.u32 s5, $0x3;
	s0 =	sadd.s32 s6, s0;
	[dreg:$0x3] =	wrdreg s3  }
0x1b: {  	s25 =	sadd.s32 s6, s24;
	[dreg:$0x4] =	wrdreg s0;
	s24 =	simm.s32 $0x680  }
0x1c: {  	s31 =	simm.s32 $0x3;
	s3 =	simm.s32 $0x800;
	[dreg:$0x19] =	wrdreg s24  }
0x1d: {  	s30 =	simm.s32 $0x1300;
	p0 =	por $0x0, $0x0;
	[dreg:$0x1c] =	wrdreg s3  }
0x1e: {  	s29 =	simm.s32 $0x1600;
	s26 =	sadd.s32 $0x2800, s25;
	s0 =	rddreg [dreg:$0x3]  }
0x1f: {  	s2 =	sadd.s32 $0xF44600, s2;
	s4 =	sadd.s32 $0x5000, s25;
	[dreg:$0x5] =	wrdreg s26  }
0x20: {  	s1 =	ssub.s32 $0x2, s1;
	s5 =	sadd.s32 $0x7800, s25;
	[dreg:$0x6] =	wrdreg s4  }
0x21: {  	s14 =	simm.s32 $0x9900;
	s6 =	sadd.s32 $0xA000, s25;
	[dreg:$0x7] =	wrdreg s5  }
0x22: {  	s12 =	simm.s32 $0xF900;
	s7 =	sadd.s32 $0xC800, s25;
	[dreg:$0x8] =	wrdreg s6  }
0x23: {  	s15 =	simm.s32 $0x11900;
	s8 =	sadd.s32 $0xF000, s25;
	[dreg:$0x9] =	wrdreg s7  }
0x24: {  	s16 =	simm.s32 $0x13900;
	s9 =	sadd.s32 $0x11800, s25;
	[dreg:$0xa] =	wrdreg s8  }
0x25: {  	s13 =	simm.s32 $0x40;
	s10 =	sadd.s32 $0x14000, s25;
	[dreg:$0xb] =	wrdreg s9  }
0x26: {  	s18 =	simm.s32 $0x1680;
	s11 =	sadd.s32 $0x16800, s25;
	[dreg:$0xc] =	wrdreg s10  }
0x27: {  	s19 =	simm.s32 $0x1700;
	s25 =	simm.s32 $0x700;
	[dreg:$0xd] =	wrdreg s11  }
0x28: {  	s20 =	simm.s32 $0x1780;
	s24 =	simm.s32 $0x1180;
	[dreg:$0x1a] =	wrdreg s25  }
0x29: {  	s21 =	simm.s32 $0x1800;
	s26 =	simm.s32 $0x780;
	[smem:$0x7FB] =	sst s24  }
0x2a: {  	s22 =	simm.s32 $0x1880;
	s4 =	simm.s32 $0x880;
	[dreg:$0x1b] =	wrdreg s26  }
0x2b: {  	s23 =	simm.s32 $0x1380;
	s5 =	simm.s32 $0x900;
	[dreg:$0x1d] =	wrdreg s4  }
0x2c: {  	s3 =	simm.s32 $0x80;
	s6 =	simm.s32 $0x980;
	[dreg:$0x1e] =	wrdreg s5  }
0x2d: {  	s7 =	simm.s32 $0xA00;
	s8 =	sshrl.u32 s1, $0x1;
	[dreg:$0x1f] =	wrdreg s6  }
0x2e: {  	s9 =	simm.s32 $0xA80;
	s10 =	simm.s32 $0xB00;
	[smem:$0x7EC] =	sst s7  }
0x2f: {  	s11 =	simm.s32 $0xB80;
	s1 =	ssub.s32 s1, s8;
	[smem:$0x7ED] =	sst s9  }
0x30: {  	s25 =	simm.s32 $0x1200;
	[smem:$0x7EE] =	sst s10;
	s1 =	smax.u32 s1, $0x1  }
0x31: {  	s24 =	simm.s32 $0x1480;
	[smem:$0x7EF] =	sst s11;
	p1 =	sne.s32 s1, $0x1  }
.Ltmp0:
0x32: {  	s4 =	simm.s32 $0x1900;
	s6 =	simm.s32 $0x3900;
	(pc) =	sbr.rel @!p1 .LBB2_1-.Ltmp0, $4  }
0x33: {  	s8 =	simm.s32 $0x5900;
	s11 =	simm.s32 $0x7900;
	s5 =	simm.s32 $0xB900  }
0x34: {  	s9 =	simm.s32 $0xD900;
	s10 =	simm.s32 $0x1;
	[smem:$0x7FC] =	sst s25  }
0x35: {  	s26 =	simm.s32 $0x1280;
	s7 =	simm.s32 $0x2;
	s25 =	simm.s32 $0x1500  }
0x36: {  	[smem:$0x7FD] =	sst s26;
	s26 =	simm.s32 $0x1580;
	s1 =	sadd.s32 $0xFFFFFFFF, s1  }
0x37: {  	[tilespmem:s28], [sflag:$0x3] =	stream.linear.gather [hbm4b:s0+s28], $0x1900, $0x38;
	[tilespmem:$0x15900] =	vst v63  }
0x38: {  	_ =	swait.ge [sflag:s31], $0x1900  }
0x39: {  	[sflag:s31] =	ssyncset.done $0x0  }
0x3a: {  	[sflag:s31] =	ssyncadd.s32 $0xFFFFE700  }
0x3b: {  	[tilespmem:s4], [sflag:$0x1] =	stream.indirect.gather [hbm4b:s2+s3], $0x40, s28, s3, $0xb8;
	[tilespmem:$0x15900] =	vst v63  }
0x3c: {  	_ = 	snop  }
0x3d: {  	[tilespmem:s6], [sflag:$0x1] =	stream.indirect.gather [hbm4b:s2+s3], $0x40, s3, s3, $0xb8;
	[tilespmem:$0x15900] =	vst v63  }
0x3e: {  	s0 =	rddreg [dreg:$0xe]  }
0x3f: {  	[tilespmem:s8], [sflag:$0x1] =	stream.indirect.gather [hbm4b:s2+s3], $0x40, s0, s3, $0xb8;
	[tilespmem:$0x15900] =	vst v63  }
0x40: {  	s17 =	smov.u32 s1;
	s1 =	rddreg [dreg:$0xf]  }
0x41: {  	[tilespmem:s11], [sflag:$0x1] =	stream.indirect.gather [hbm4b:s2+s3], $0x40, s1, s3, $0xb8;
	[tilespmem:$0x15900] =	vst v63  }
0x42: {  	s0 =	rddreg [dreg:$0x10]  }
0x43: {  	[tilespmem:s14], [sflag:$0x1] =	stream.indirect.gather [hbm4b:s2+s3], $0x40, s0, s3, $0xb8;
	[tilespmem:$0x15900] =	vst v63  }
0x44: {  	s1 =	rddreg [dreg:$0x11]  }
0x45: {  	[tilespmem:s5], [sflag:$0x1] =	stream.indirect.gather [hbm4b:s2+s3], $0x40, s1, s3, $0xb8;
	[tilespmem:$0x15900] =	vst v63  }
0x46: {  	s0 =	rddreg [dreg:$0x12]  }
0x47: {  	[tilespmem:s9], [sflag:$0x1] =	stream.indirect.gather [hbm4b:s2+s3], $0x40, s0, s3, $0xb8;
	[tilespmem:$0x15900] =	vst v63  }
0x48: {  	s1 =	rddreg [dreg:$0x13]  }
0x49: {  	[tilespmem:s12], [sflag:$0x1] =	stream.indirect.gather [hbm4b:s2+s3], $0x40, s1, s3, $0xb8;
	[tilespmem:$0x15900] =	vst v63  }
0x4a: {  	s0 =	rddreg [dreg:$0x14]  }
0x4b: {  	[tilespmem:s15], [sflag:$0x1] =	stream.indirect.gather [hbm4b:s2+s3], $0x40, s0, s3, $0xb8;
	[tilespmem:$0x15900] =	vst v63  }
0x4c: {  	s1 =	rddreg [dreg:$0x15]  }
0x4d: {  	[tilespmem:s16], [sflag:$0x1] =	stream.indirect.gather [hbm4b:s2+s3], $0x40, s1, s3, $0xb8;
	[tilespmem:$0x15900] =	vst v63  }
0x4e: {  	_ =	swait.ge [sflag:s10], $0xA000  }
0x4f: {  	[sflag:s10] =	ssyncset.done $0x0  }
0x50: {  	s1 =	rddreg [dreg:$0x4];
	[sflag:s10] =	ssyncadd.s32 $0xFFFF6000  }
0x51: {  	[hbm4b:s1+s13] =	stream.strided.scatter [tilespmem:s4], [sflag:$0x2], $0xA000, s3, s13, $0x38;
	[tilespmem:$0x15900] =	vst v63  }
0x52: {  	_ =	swait.ge [sflag:s7], $0xA000  }
0x53: {  	[sflag:s7] =	ssyncset.done $0x0  }
0x54: {  	s0 =	rddreg [dreg:$0x16];
	[sflag:s7] =	ssyncadd.s32 $0xFFFF6000  }
0x55: {  	[tilespmem:s4], [sflag:$0x1] =	stream.indirect.gather [hbm4b:s2+s3], $0x40, s0, s3, $0xb8;
	[tilespmem:$0x15900] =	vst v63  }
0x56: {  	s1 =	rddreg [dreg:$0x17]  }
0x57: {  	[tilespmem:s6], [sflag:$0x1] =	stream.indirect.gather [hbm4b:s2+s3], $0x40, s1, s3, $0xb8;
	[tilespmem:$0x15900] =	vst v63  }
0x58: {  	s0 =	rddreg [dreg:$0x18]  }
0x59: {  	[tilespmem:s8], [sflag:$0x1] =	stream.indirect.gather [hbm4b:s2+s3], $0x40, s0, s3, $0xb8;
	[tilespmem:$0x15900] =	vst v63  }
0x5a: {  	s1 =	rddreg [dreg:$0x19]  }
0x5b: {  	[tilespmem:s11], [sflag:$0x1] =	stream.indirect.gather [hbm4b:s2+s3], $0x40, s1, s3, $0xb8;
	[tilespmem:$0x15900] =	vst v63  }
0x5c: {  	s0 =	rddreg [dreg:$0x1a]  }
0x5d: {  	[tilespmem:s14], [sflag:$0x1] =	stream.indirect.gather [hbm4b:s2+s3], $0x40, s0, s3, $0xb8;
	[tilespmem:$0x15900] =	vst v63  }
0x5e: {  	_ =	swait.ge [sflag:s10], $0xA000  }
0x5f: {  	[sflag:s10] =	ssyncset.done $0x0  }
0x60: {  	s1 =	rddreg [dreg:$0x5];
	[sflag:s10] =	ssyncadd.s32 $0xFFFF6000  }
0x61: {  	[hbm4b:s1+s13] =	stream.strided.scatter [tilespmem:s5], [sflag:$0x2], $0xA000, s3, s13, $0x38;
	[tilespmem:$0x15900] =	vst v63  }
0x62: {  	_ =	swait.ge [sflag:s7], $0xA000  }
0x63: {  	[sflag:s7] =	ssyncset.done $0x0  }
0x64: {  	s0 =	rddreg [dreg:$0x1b];
	[sflag:s7] =	ssyncadd.s32 $0xFFFF6000  }
0x65: {  	[tilespmem:s5], [sflag:$0x1] =	stream.indirect.gather [hbm4b:s2+s3], $0x40, s0, s3, $0xb8;
	[tilespmem:$0x15900] =	vst v63  }
0x66: {  	s1 =	rddreg [dreg:$0x1c]  }
0x67: {  	[tilespmem:s9], [sflag:$0x1] =	stream.indirect.gather [hbm4b:s2+s3], $0x40, s1, s3, $0xb8;
	[tilespmem:$0x15900] =	vst v63  }
0x68: {  	s0 =	rddreg [dreg:$0x1d]  }
0x69: {  	[tilespmem:s12], [sflag:$0x1] =	stream.indirect.gather [hbm4b:s2+s3], $0x40, s0, s3, $0xb8;
	[tilespmem:$0x15900] =	vst v63  }
0x6a: {  	s1 =	rddreg [dreg:$0x1e]  }
0x6b: {  	[tilespmem:s15], [sflag:$0x1] =	stream.indirect.gather [hbm4b:s2+s3], $0x40, s1, s3, $0xb8;
	[tilespmem:$0x15900] =	vst v63  }
0x6c: {  	s0 =	rddreg [dreg:$0x1f]  }
0x6d: {  	[tilespmem:s16], [sflag:$0x1] =	stream.indirect.gather [hbm4b:s2+s3], $0x40, s0, s3, $0xb8;
	[tilespmem:$0x15900] =	vst v63  }
0x6e: {  	_ =	swait.ge [sflag:s10], $0xA000  }
0x6f: {  	[sflag:s10] =	ssyncset.done $0x0  }
0x70: {  	s1 =	rddreg [dreg:$0x6];
	[sflag:s10] =	ssyncadd.s32 $0xFFFF6000  }
0x71: {  	[hbm4b:s1+s13] =	stream.strided.scatter [tilespmem:s4], [sflag:$0x2], $0xA000, s3, s13, $0x38;
	[tilespmem:$0x15900] =	vst v63  }
0x72: {  	_ =	swait.ge [sflag:s7], $0xA000  }
0x73: {  	s0 =	sld [smem:$0x7EC]  }
0x74: {  	[sflag:s7] =	ssyncset.done $0x0  }
0x75: {  	s1 =	sld [smem:$0x7ED];
	[sflag:s7] =	ssyncadd.s32 $0xFFFF6000  }
0x76: {  	[tilespmem:s4], [sflag:$0x1] =	stream.indirect.gather [hbm4b:s2+s3], $0x40, s0, s3, $0xb8;
	[tilespmem:$0x15900] =	vst v63  }
0x77: {  	s0 =	sld [smem:$0x7EE]  }
0x78: {  	[tilespmem:s6], [sflag:$0x1] =	stream.indirect.gather [hbm4b:s2+s3], $0x40, s1, s3, $0xb8;
	[tilespmem:$0x15900] =	vst v63  }
0x79: {  	s1 =	sld [smem:$0x7EF]  }
0x7a: {  	[tilespmem:s8], [sflag:$0x1] =	stream.indirect.gather [hbm4b:s2+s3], $0x40, s0, s3, $0xb8;
	[tilespmem:$0x15900] =	vst v63  }
0x7b: {  	s0 =	sld [smem:$0x7F0]  }
0x7c: {  	[tilespmem:s11], [sflag:$0x1] =	stream.indirect.gather [hbm4b:s2+s3], $0x40, s1, s3, $0xb8;
	[tilespmem:$0x15900] =	vst v63  }
0x7d: {  	_ = 	snop  }
0x7e: {  	[tilespmem:s14], [sflag:$0x1] =	stream.indirect.gather [hbm4b:s2+s3], $0x40, s0, s3, $0xb8;
	[tilespmem:$0x15900] =	vst v63  }
0x7f: {  	_ =	swait.ge [sflag:s10], $0xA000  }
0x80: {  	[sflag:s10] =	ssyncset.done $0x0  }
0x81: {  	s1 =	rddreg [dreg:$0x7];
	[sflag:s10] =	ssyncadd.s32 $0xFFFF6000  }
0x82: {  	[hbm4b:s1+s13] =	stream.strided.scatter [tilespmem:s5], [sflag:$0x2], $0xA000, s3, s13, $0x38;
	[tilespmem:$0x15900] =	vst v63  }
0x83: {  	_ =	swait.ge [sflag:s7], $0xA000  }
0x84: {  	s0 =	sld [smem:$0x7F1]  }
0x85: {  	[sflag:s7] =	ssyncset.done $0x0  }
0x86: {  	s1 =	sld [smem:$0x7F2];
	[sflag:s7] =	ssyncadd.s32 $0xFFFF6000  }
0x87: {  	[tilespmem:s5], [sflag:$0x1] =	stream.indirect.gather [hbm4b:s2+s3], $0x40, s0, s3, $0xb8;
	[tilespmem:$0x15900] =	vst v63  }
0x88: {  	s0 =	sld [smem:$0x7F3]  }
0x89: {  	[tilespmem:s9], [sflag:$0x1] =	stream.indirect.gather [hbm4b:s2+s3], $0x40, s1, s3, $0xb8;
	[tilespmem:$0x15900] =	vst v63  }
0x8a: {  	s1 =	sld [smem:$0x7F4]  }
0x8b: {  	[tilespmem:s12], [sflag:$0x1] =	stream.indirect.gather [hbm4b:s2+s3], $0x40, s0, s3, $0xb8;
	[tilespmem:$0x15900] =	vst v63  }
0x8c: {  	s0 =	sld [smem:$0x7F5]  }
0x8d: {  	[tilespmem:s15], [sflag:$0x1] =	stream.indirect.gather [hbm4b:s2+s3], $0x40, s1, s3, $0xb8;
	[tilespmem:$0x15900] =	vst v63  }
0x8e: {  	_ = 	snop  }
0x8f: {  	[tilespmem:s16], [sflag:$0x1] =	stream.indirect.gather [hbm4b:s2+s3], $0x40, s0, s3, $0xb8;
	[tilespmem:$0x15900] =	vst v63  }
0x90: {  	_ =	swait.ge [sflag:s10], $0xA000  }
0x91: {  	[sflag:s10] =	ssyncset.done $0x0  }
0x92: {  	s1 =	rddreg [dreg:$0x8];
	[sflag:s10] =	ssyncadd.s32 $0xFFFF6000  }
0x93: {  	[hbm4b:s1+s13] =	stream.strided.scatter [tilespmem:s4], [sflag:$0x2], $0xA000, s3, s13, $0x38;
	[tilespmem:$0x15900] =	vst v63  }
0x94: {  	_ =	swait.ge [sflag:s7], $0xA000  }
0x95: {  	s0 =	sld [smem:$0x7F6]  }
0x96: {  	[sflag:s7] =	ssyncset.done $0x0  }
0x97: {  	s1 =	sld [smem:$0x7F7];
	[sflag:s7] =	ssyncadd.s32 $0xFFFF6000  }
0x98: {  	[tilespmem:s4], [sflag:$0x1] =	stream.indirect.gather [hbm4b:s2+s3], $0x40, s0, s3, $0xb8;
	[tilespmem:$0x15900] =	vst v63  }
0x99: {  	s0 =	sld [smem:$0x7F8]  }
0x9a: {  	[tilespmem:s6], [sflag:$0x1] =	stream.indirect.gather [hbm4b:s2+s3], $0x40, s1, s3, $0xb8;
	[tilespmem:$0x15900] =	vst v63  }
0x9b: {  	s1 =	sld [smem:$0x7F9]  }
0x9c: {  	[tilespmem:s8], [sflag:$0x1] =	stream.indirect.gather [hbm4b:s2+s3], $0x40, s0, s3, $0xb8;
	[tilespmem:$0x15900] =	vst v63  }
0x9d: {  	s0 =	sld [smem:$0x7FA]  }
0x9e: {  	[tilespmem:s11], [sflag:$0x1] =	stream.indirect.gather [hbm4b:s2+s3], $0x40, s1, s3, $0xb8;
	[tilespmem:$0x15900] =	vst v63  }
0x9f: {  	_ = 	snop  }
0xa0: {  	[tilespmem:s14], [sflag:$0x1] =	stream.indirect.gather [hbm4b:s2+s3], $0x40, s0, s3, $0xb8;
	[tilespmem:$0x15900] =	vst v63  }
0xa1: {  	_ =	swait.ge [sflag:s10], $0xA000  }
0xa2: {  	[sflag:s10] =	ssyncset.done $0x0  }
0xa3: {  	s1 =	rddreg [dreg:$0x9];
	[sflag:s10] =	ssyncadd.s32 $0xFFFF6000  }
0xa4: {  	[hbm4b:s1+s13] =	stream.strided.scatter [tilespmem:s5], [sflag:$0x2], $0xA000, s3, s13, $0x38;
	[tilespmem:$0x15900] =	vst v63  }
0xa5: {  	_ =	swait.ge [sflag:s7], $0xA000  }
0xa6: {  	s0 =	sld [smem:$0x7FB]  }
0xa7: {  	[sflag:s7] =	ssyncset.done $0x0  }
0xa8: {  	s1 =	sld [smem:$0x7FC];
	[sflag:s7] =	ssyncadd.s32 $0xFFFF6000  }
0xa9: {  	[tilespmem:s5], [sflag:$0x1] =	stream.indirect.gather [hbm4b:s2+s3], $0x40, s0, s3, $0xb8;
	[tilespmem:$0x15900] =	vst v63  }
0xaa: {  	s0 =	sld [smem:$0x7FD]  }
0xab: {  	[tilespmem:s9], [sflag:$0x1] =	stream.indirect.gather [hbm4b:s2+s3], $0x40, s1, s3, $0xb8;
	[tilespmem:$0x15900] =	vst v63  }
0xac: {  	_ = 	snop  }
0xad: {  	[tilespmem:s12], [sflag:$0x1] =	stream.indirect.gather [hbm4b:s2+s3], $0x40, s0, s3, $0xb8;
	[tilespmem:$0x15900] =	vst v63  }
0xae: {  	_ = 	snop  }
0xaf: {  	[tilespmem:s15], [sflag:$0x1] =	stream.indirect.gather [hbm4b:s2+s3], $0x40, s30, s3, $0xb8;
	[tilespmem:$0x15900] =	vst v63  }
0xb0: {  	_ = 	snop  }
0xb1: {  	[tilespmem:s16], [sflag:$0x1] =	stream.indirect.gather [hbm4b:s2+s3], $0x40, s23, s3, $0xb8;
	[tilespmem:$0x15900] =	vst v63  }
0xb2: {  	_ =	swait.ge [sflag:s10], $0xA000  }
0xb3: {  	[sflag:s10] =	ssyncset.done $0x0  }
0xb4: {  	s1 =	rddreg [dreg:$0xa];
	[sflag:s10] =	ssyncadd.s32 $0xFFFF6000  }
0xb5: {  	[hbm4b:s1+s13] =	stream.strided.scatter [tilespmem:s4], [sflag:$0x2], $0xA000, s3, s13, $0x38;
	[tilespmem:$0x15900] =	vst v63  }
0xb6: {  	_ =	swait.ge [sflag:s7], $0xA000  }
0xb7: {  	[sflag:s7] =	ssyncset.done $0x0  }
0xb8: {  	s1 =	simm.s32 $0x1400;
	[sflag:s7] =	ssyncadd.s32 $0xFFFF6000  }
0xb9: {  	[tilespmem:s4], [sflag:$0x1] =	stream.indirect.gather [hbm4b:s2+s3], $0x40, s1, s3, $0xb8;
	[tilespmem:$0x15900] =	vst v63  }
0xba: {  	_ = 	snop  }
0xbb: {  	[tilespmem:s6], [sflag:$0x1] =	stream.indirect.gather [hbm4b:s2+s3], $0x40, s24, s3, $0xb8;
	[tilespmem:$0x15900] =	vst v63  }
0xbc: {  	_ = 	snop  }
0xbd: {  	[tilespmem:s8], [sflag:$0x1] =	stream.indirect.gather [hbm4b:s2+s3], $0x40, s25, s3, $0xb8;
	[tilespmem:$0x15900] =	vst v63  }
0xbe: {  	_ = 	snop  }
0xbf: {  	[tilespmem:s11], [sflag:$0x1] =	stream.indirect.gather [hbm4b:s2+s3], $0x40, s26, s3, $0xb8;
	[tilespmem:$0x15900] =	vst v63  }
0xc0: {  	_ = 	snop  }
0xc1: {  	[tilespmem:s14], [sflag:$0x1] =	stream.indirect.gather [hbm4b:s2+s3], $0x40, s29, s3, $0xb8;
	[tilespmem:$0x15900] =	vst v63  }
0xc2: {  	_ =	swait.ge [sflag:s10], $0xA000  }
0xc3: {  	[sflag:s10] =	ssyncset.done $0x0  }
0xc4: {  	s1 =	rddreg [dreg:$0xb];
	[sflag:s10] =	ssyncadd.s32 $0xFFFF6000  }
0xc5: {  	[hbm4b:s1+s13] =	stream.strided.scatter [tilespmem:s5], [sflag:$0x2], $0xA000, s3, s13, $0x38;
	[tilespmem:$0x15900] =	vst v63  }
0xc6: {  	_ =	swait.ge [sflag:s7], $0xA000  }
0xc7: {  	[sflag:s7] =	ssyncset.done $0x0  }
0xc8: {  	[sflag:s7] =	ssyncadd.s32 $0xFFFF6000  }
0xc9: {  	[tilespmem:s5], [sflag:$0x1] =	stream.indirect.gather [hbm4b:s2+s3], $0x40, s18, s3, $0xb8;
	[tilespmem:$0x15900] =	vst v63  }
0xca: {  	_ = 	snop  }
0xcb: {  	[tilespmem:s9], [sflag:$0x1] =	stream.indirect.gather [hbm4b:s2+s3], $0x40, s19, s3, $0xb8;
	[tilespmem:$0x15900] =	vst v63  }
0xcc: {  	_ = 	snop  }
0xcd: {  	[tilespmem:s12], [sflag:$0x1] =	stream.indirect.gather [hbm4b:s2+s3], $0x40, s20, s3, $0xb8;
	[tilespmem:$0x15900] =	vst v63  }
0xce: {  	_ = 	snop  }
0xcf: {  	[tilespmem:s15], [sflag:$0x1] =	stream.indirect.gather [hbm4b:s2+s3], $0x40, s21, s3, $0xb8;
	[tilespmem:$0x15900] =	vst v63  }
0xd0: {  	_ = 	snop  }
0xd1: {  	[tilespmem:s16], [sflag:$0x1] =	stream.indirect.gather [hbm4b:s2+s3], $0x40, s22, s3, $0xb8;
	[tilespmem:$0x15900] =	vst v63  }
0xd2: {  	_ =	swait.ge [sflag:s10], $0xA000  }
0xd3: {  	[sflag:s10] =	ssyncset.done $0x0  }
0xd4: {  	s1 =	rddreg [dreg:$0xc];
	[sflag:s10] =	ssyncadd.s32 $0xFFFF6000  }
0xd5: {  	[hbm4b:s1+s13] =	stream.strided.scatter [tilespmem:s4], [sflag:$0x2], $0xA000, s3, s13, $0x38;
	[tilespmem:$0x15900] =	vst v63  }
0xd6: {  	_ =	swait.ge [sflag:s10], $0xA000  }
0xd7: {  	[sflag:s10] =	ssyncset.done $0x0  }
0xd8: {  	p1 =	sne.s32 s17, $0x1;
	s1 =	rddreg [dreg:$0xd];
	[sflag:s10] =	ssyncadd.s32 $0xFFFF6000  }
0xd9: {  	[hbm4b:s1+s13] =	stream.strided.scatter [tilespmem:s5], [sflag:$0x2], $0xA000, s3, s13, $0x38;
	[tilespmem:$0x15900] =	vst v63  }
.Ltmp1:
0xda: {  	_ =	swait.ge [sflag:s7], $0xA000;
	(pc) =	sbr.rel @!p1 .LBB2_3-.Ltmp1, $4  }
0xdb: {  	[sflag:s7] =	ssyncset.done $0x0  }
0xdc: {  	[sflag:s7] =	ssyncadd.s32 $0xFFFF6000  }
0xdd: {  	p0 =	por $0x1, $0x1;
	_ =	swait.ge [sflag:s7], $0xA000  }
0xde: {  	s1 =	sadd.s32 $0xFFFFFFFF, s17;
	s0 =	rddreg [dreg:$0x3];
	[sflag:s7] =	ssyncset.done $0x0  }
.LBB2_4:
0xdf: {  	[sflag:s7] =	ssyncadd.s32 $0xFFFF6000  }
0xe0: {  	[tilespmem:s28], [sflag:$0x3] =	stream.linear.gather [hbm4b:s0+s28], $0x1900, $0x38;
	[tilespmem:$0x15900] =	vst v63  }
0xe1: {  	_ =	swait.ge [sflag:s31], $0x1900  }
0xe2: {  	[sflag:s31] =	ssyncset.done $0x0  }
0xe3: {  	[sflag:s31] =	ssyncadd.s32 $0xFFFFE700  }
0xe4: {  	[tilespmem:s4], [sflag:$0x1] =	stream.indirect.gather [hbm4b:s2+s3], $0x40, s28, s3, $0xb8;
	[tilespmem:$0x15900] =	vst v63  }
0xe5: {  	_ = 	snop  }
0xe6: {  	[tilespmem:s6], [sflag:$0x1] =	stream.indirect.gather [hbm4b:s2+s3], $0x40, s3, s3, $0xb8;
	[tilespmem:$0x15900] =	vst v63  }
0xe7: {  	s0 =	rddreg [dreg:$0xe]  }
0xe8: {  	[tilespmem:s8], [sflag:$0x1] =	stream.indirect.gather [hbm4b:s2+s3], $0x40, s0, s3, $0xb8;
	[tilespmem:$0x15900] =	vst v63  }
0xe9: {  	s17 =	rddreg [dreg:$0xf]  }
0xea: {  	[tilespmem:s11], [sflag:$0x1] =	stream.indirect.gather [hbm4b:s2+s3], $0x40, s17, s3, $0xb8;
	[tilespmem:$0x15900] =	vst v63  }
0xeb: {  	s0 =	rddreg [dreg:$0x10]  }
0xec: {  	[tilespmem:s14], [sflag:$0x1] =	stream.indirect.gather [hbm4b:s2+s3], $0x40, s0, s3, $0xb8;
	[tilespmem:$0x15900] =	vst v63  }
0xed: {  	s17 =	rddreg [dreg:$0x11]  }
0xee: {  	[tilespmem:s5], [sflag:$0x1] =	stream.indirect.gather [hbm4b:s2+s3], $0x40, s17, s3, $0xb8;
	[tilespmem:$0x15900] =	vst v63  }
0xef: {  	s0 =	rddreg [dreg:$0x12]  }
0xf0: {  	[tilespmem:s9], [sflag:$0x1] =	stream.indirect.gather [hbm4b:s2+s3], $0x40, s0, s3, $0xb8;
	[tilespmem:$0x15900] =	vst v63  }
0xf1: {  	s17 =	rddreg [dreg:$0x13]  }
0xf2: {  	[tilespmem:s12], [sflag:$0x1] =	stream.indirect.gather [hbm4b:s2+s3], $0x40, s17, s3, $0xb8;
	[tilespmem:$0x15900] =	vst v63  }
0xf3: {  	s0 =	rddreg [dreg:$0x14]  }
0xf4: {  	[tilespmem:s15], [sflag:$0x1] =	stream.indirect.gather [hbm4b:s2+s3], $0x40, s0, s3, $0xb8;
	[tilespmem:$0x15900] =	vst v63  }
0xf5: {  	s17 =	rddreg [dreg:$0x15]  }
0xf6: {  	[tilespmem:s16], [sflag:$0x1] =	stream.indirect.gather [hbm4b:s2+s3], $0x40, s17, s3, $0xb8;
	[tilespmem:$0x15900] =	vst v63  }
0xf7: {  	_ =	swait.ge [sflag:s10], $0xA000  }
0xf8: {  	[sflag:s10] =	ssyncset.done $0x0  }
0xf9: {  	s17 =	rddreg [dreg:$0x4];
	[sflag:s10] =	ssyncadd.s32 $0xFFFF6000  }
0xfa: {  	[hbm4b:s17+s13] =	stream.strided.scatter [tilespmem:s4], [sflag:$0x2], $0xA000, s3, s13, $0x38;
	[tilespmem:$0x15900] =	vst v63  }
0xfb: {  	_ =	swait.ge [sflag:s7], $0xA000  }
0xfc: {  	[sflag:s7] =	ssyncset.done $0x0  }
0xfd: {  	s0 =	rddreg [dreg:$0x16];
	[sflag:s7] =	ssyncadd.s32 $0xFFFF6000  }
0xfe: {  	[tilespmem:s4], [sflag:$0x1] =	stream.indirect.gather [hbm4b:s2+s3], $0x40, s0, s3, $0xb8;
	[tilespmem:$0x15900] =	vst v63  }
0xff: {  	s17 =	rddreg [dreg:$0x17]  }
0x100: {  	[tilespmem:s6], [sflag:$0x1] =	stream.indirect.gather [hbm4b:s2+s3], $0x40, s17, s3, $0xb8;
	[tilespmem:$0x15900] =	vst v63  }
0x101: {  	s0 =	rddreg [dreg:$0x18]  }
0x102: {  	[tilespmem:s8], [sflag:$0x1] =	stream.indirect.gather [hbm4b:s2+s3], $0x40, s0, s3, $0xb8;
	[tilespmem:$0x15900] =	vst v63  }
0x103: {  	s17 =	rddreg [dreg:$0x19]  }
0x104: {  	[tilespmem:s11], [sflag:$0x1] =	stream.indirect.gather [hbm4b:s2+s3], $0x40, s17, s3, $0xb8;
	[tilespmem:$0x15900] =	vst v63  }
0x105: {  	s0 =	rddreg [dreg:$0x1a]  }
0x106: {  	[tilespmem:s14], [sflag:$0x1] =	stream.indirect.gather [hbm4b:s2+s3], $0x40, s0, s3, $0xb8;
	[tilespmem:$0x15900] =	vst v63  }
0x107: {  	_ =	swait.ge [sflag:s10], $0xA000  }
0x108: {  	[sflag:s10] =	ssyncset.done $0x0  }
0x109: {  	s17 =	rddreg [dreg:$0x5];
	[sflag:s10] =	ssyncadd.s32 $0xFFFF6000  }
0x10a: {  	[hbm4b:s17+s13] =	stream.strided.scatter [tilespmem:s5], [sflag:$0x2], $0xA000, s3, s13, $0x38;
	[tilespmem:$0x15900] =	vst v63  }
0x10b: {  	_ =	swait.ge [sflag:s7], $0xA000  }
0x10c: {  	[sflag:s7] =	ssyncset.done $0x0  }
0x10d: {  	s0 =	rddreg [dreg:$0x1b];
	[sflag:s7] =	ssyncadd.s32 $0xFFFF6000  }
0x10e: {  	[tilespmem:s5], [sflag:$0x1] =	stream.indirect.gather [hbm4b:s2+s3], $0x40, s0, s3, $0xb8;
	[tilespmem:$0x15900] =	vst v63  }
0x10f: {  	s17 =	rddreg [dreg:$0x1c]  }
0x110: {  	[tilespmem:s9], [sflag:$0x1] =	stream.indirect.gather [hbm4b:s2+s3], $0x40, s17, s3, $0xb8;
	[tilespmem:$0x15900] =	vst v63  }
0x111: {  	s0 =	rddreg [dreg:$0x1d]  }
0x112: {  	[tilespmem:s12], [sflag:$0x1] =	stream.indirect.gather [hbm4b:s2+s3], $0x40, s0, s3, $0xb8;
	[tilespmem:$0x15900] =	vst v63  }
0x113: {  	s17 =	rddreg [dreg:$0x1e]  }
0x114: {  	[tilespmem:s15], [sflag:$0x1] =	stream.indirect.gather [hbm4b:s2+s3], $0x40, s17, s3, $0xb8;
	[tilespmem:$0x15900] =	vst v63  }
0x115: {  	s0 =	rddreg [dreg:$0x1f]  }
0x116: {  	[tilespmem:s16], [sflag:$0x1] =	stream.indirect.gather [hbm4b:s2+s3], $0x40, s0, s3, $0xb8;
	[tilespmem:$0x15900] =	vst v63  }
0x117: {  	_ =	swait.ge [sflag:s10], $0xA000  }
0x118: {  	[sflag:s10] =	ssyncset.done $0x0  }
0x119: {  	s17 =	rddreg [dreg:$0x6];
	[sflag:s10] =	ssyncadd.s32 $0xFFFF6000  }
0x11a: {  	[hbm4b:s17+s13] =	stream.strided.scatter [tilespmem:s4], [sflag:$0x2], $0xA000, s3, s13, $0x38;
	[tilespmem:$0x15900] =	vst v63  }
0x11b: {  	_ =	swait.ge [sflag:s7], $0xA000  }
0x11c: {  	s0 =	sld [smem:$0x7EC]  }
0x11d: {  	[sflag:s7] =	ssyncset.done $0x0  }
0x11e: {  	s17 =	sld [smem:$0x7ED];
	[sflag:s7] =	ssyncadd.s32 $0xFFFF6000  }
0x11f: {  	[tilespmem:s4], [sflag:$0x1] =	stream.indirect.gather [hbm4b:s2+s3], $0x40, s0, s3, $0xb8;
	[tilespmem:$0x15900] =	vst v63  }
0x120: {  	s0 =	sld [smem:$0x7EE]  }
0x121: {  	[tilespmem:s6], [sflag:$0x1] =	stream.indirect.gather [hbm4b:s2+s3], $0x40, s17, s3, $0xb8;
	[tilespmem:$0x15900] =	vst v63  }
0x122: {  	s17 =	sld [smem:$0x7EF]  }
0x123: {  	[tilespmem:s8], [sflag:$0x1] =	stream.indirect.gather [hbm4b:s2+s3], $0x40, s0, s3, $0xb8;
	[tilespmem:$0x15900] =	vst v63  }
0x124: {  	s0 =	sld [smem:$0x7F0]  }
0x125: {  	[tilespmem:s11], [sflag:$0x1] =	stream.indirect.gather [hbm4b:s2+s3], $0x40, s17, s3, $0xb8;
	[tilespmem:$0x15900] =	vst v63  }
0x126: {  	_ = 	snop  }
0x127: {  	[tilespmem:s14], [sflag:$0x1] =	stream.indirect.gather [hbm4b:s2+s3], $0x40, s0, s3, $0xb8;
	[tilespmem:$0x15900] =	vst v63  }
0x128: {  	_ =	swait.ge [sflag:s10], $0xA000  }
0x129: {  	[sflag:s10] =	ssyncset.done $0x0  }
0x12a: {  	s17 =	rddreg [dreg:$0x7];
	[sflag:s10] =	ssyncadd.s32 $0xFFFF6000  }
0x12b: {  	[hbm4b:s17+s13] =	stream.strided.scatter [tilespmem:s5], [sflag:$0x2], $0xA000, s3, s13, $0x38;
	[tilespmem:$0x15900] =	vst v63  }
0x12c: {  	_ =	swait.ge [sflag:s7], $0xA000  }
0x12d: {  	s0 =	sld [smem:$0x7F1]  }
0x12e: {  	[sflag:s7] =	ssyncset.done $0x0  }
0x12f: {  	s17 =	sld [smem:$0x7F2];
	[sflag:s7] =	ssyncadd.s32 $0xFFFF6000  }
0x130: {  	[tilespmem:s5], [sflag:$0x1] =	stream.indirect.gather [hbm4b:s2+s3], $0x40, s0, s3, $0xb8;
	[tilespmem:$0x15900] =	vst v63  }
0x131: {  	s0 =	sld [smem:$0x7F3]  }
0x132: {  	[tilespmem:s9], [sflag:$0x1] =	stream.indirect.gather [hbm4b:s2+s3], $0x40, s17, s3, $0xb8;
	[tilespmem:$0x15900] =	vst v63  }
0x133: {  	s17 =	sld [smem:$0x7F4]  }
0x134: {  	[tilespmem:s12], [sflag:$0x1] =	stream.indirect.gather [hbm4b:s2+s3], $0x40, s0, s3, $0xb8;
	[tilespmem:$0x15900] =	vst v63  }
0x135: {  	s0 =	sld [smem:$0x7F5]  }
0x136: {  	[tilespmem:s15], [sflag:$0x1] =	stream.indirect.gather [hbm4b:s2+s3], $0x40, s17, s3, $0xb8;
	[tilespmem:$0x15900] =	vst v63  }
0x137: {  	_ = 	snop  }
0x138: {  	[tilespmem:s16], [sflag:$0x1] =	stream.indirect.gather [hbm4b:s2+s3], $0x40, s0, s3, $0xb8;
	[tilespmem:$0x15900] =	vst v63  }
0x139: {  	_ =	swait.ge [sflag:s10], $0xA000  }
0x13a: {  	[sflag:s10] =	ssyncset.done $0x0  }
0x13b: {  	s17 =	rddreg [dreg:$0x8];
	[sflag:s10] =	ssyncadd.s32 $0xFFFF6000  }
0x13c: {  	[hbm4b:s17+s13] =	stream.strided.scatter [tilespmem:s4], [sflag:$0x2], $0xA000, s3, s13, $0x38;
	[tilespmem:$0x15900] =	vst v63  }
0x13d: {  	_ =	swait.ge [sflag:s7], $0xA000  }
0x13e: {  	s0 =	sld [smem:$0x7F6]  }
0x13f: {  	[sflag:s7] =	ssyncset.done $0x0  }
0x140: {  	s17 =	sld [smem:$0x7F7];
	[sflag:s7] =	ssyncadd.s32 $0xFFFF6000  }
0x141: {  	[tilespmem:s4], [sflag:$0x1] =	stream.indirect.gather [hbm4b:s2+s3], $0x40, s0, s3, $0xb8;
	[tilespmem:$0x15900] =	vst v63  }
0x142: {  	s0 =	sld [smem:$0x7F8]  }
0x143: {  	[tilespmem:s6], [sflag:$0x1] =	stream.indirect.gather [hbm4b:s2+s3], $0x40, s17, s3, $0xb8;
	[tilespmem:$0x15900] =	vst v63  }
0x144: {  	s17 =	sld [smem:$0x7F9]  }
0x145: {  	[tilespmem:s8], [sflag:$0x1] =	stream.indirect.gather [hbm4b:s2+s3], $0x40, s0, s3, $0xb8;
	[tilespmem:$0x15900] =	vst v63  }
0x146: {  	s0 =	sld [smem:$0x7FA]  }
0x147: {  	[tilespmem:s11], [sflag:$0x1] =	stream.indirect.gather [hbm4b:s2+s3], $0x40, s17, s3, $0xb8;
	[tilespmem:$0x15900] =	vst v63  }
0x148: {  	_ = 	snop  }
0x149: {  	[tilespmem:s14], [sflag:$0x1] =	stream.indirect.gather [hbm4b:s2+s3], $0x40, s0, s3, $0xb8;
	[tilespmem:$0x15900] =	vst v63  }
0x14a: {  	_ =	swait.ge [sflag:s10], $0xA000  }
0x14b: {  	[sflag:s10] =	ssyncset.done $0x0  }
0x14c: {  	s17 =	rddreg [dreg:$0x9];
	[sflag:s10] =	ssyncadd.s32 $0xFFFF6000  }
0x14d: {  	[hbm4b:s17+s13] =	stream.strided.scatter [tilespmem:s5], [sflag:$0x2], $0xA000, s3, s13, $0x38;
	[tilespmem:$0x15900] =	vst v63  }
0x14e: {  	_ =	swait.ge [sflag:s7], $0xA000  }
0x14f: {  	s0 =	sld [smem:$0x7FB]  }
0x150: {  	[sflag:s7] =	ssyncset.done $0x0  }
0x151: {  	s17 =	sld [smem:$0x7FC];
	[sflag:s7] =	ssyncadd.s32 $0xFFFF6000  }
0x152: {  	[tilespmem:s5], [sflag:$0x1] =	stream.indirect.gather [hbm4b:s2+s3], $0x40, s0, s3, $0xb8;
	[tilespmem:$0x15900] =	vst v63  }
0x153: {  	s0 =	sld [smem:$0x7FD]  }
0x154: {  	[tilespmem:s9], [sflag:$0x1] =	stream.indirect.gather [hbm4b:s2+s3], $0x40, s17, s3, $0xb8;
	[tilespmem:$0x15900] =	vst v63  }
0x155: {  	_ = 	snop  }
0x156: {  	[tilespmem:s12], [sflag:$0x1] =	stream.indirect.gather [hbm4b:s2+s3], $0x40, s0, s3, $0xb8;
	[tilespmem:$0x15900] =	vst v63  }
0x157: {  	_ = 	snop  }
0x158: {  	[tilespmem:s15], [sflag:$0x1] =	stream.indirect.gather [hbm4b:s2+s3], $0x40, s30, s3, $0xb8;
	[tilespmem:$0x15900] =	vst v63  }
0x159: {  	_ = 	snop  }
0x15a: {  	[tilespmem:s16], [sflag:$0x1] =	stream.indirect.gather [hbm4b:s2+s3], $0x40, s23, s3, $0xb8;
	[tilespmem:$0x15900] =	vst v63  }
0x15b: {  	_ =	swait.ge [sflag:s10], $0xA000  }
0x15c: {  	[sflag:s10] =	ssyncset.done $0x0  }
0x15d: {  	s17 =	rddreg [dreg:$0xa];
	[sflag:s10] =	ssyncadd.s32 $0xFFFF6000  }
0x15e: {  	[hbm4b:s17+s13] =	stream.strided.scatter [tilespmem:s4], [sflag:$0x2], $0xA000, s3, s13, $0x38;
	[tilespmem:$0x15900] =	vst v63  }
0x15f: {  	_ =	swait.ge [sflag:s7], $0xA000  }
0x160: {  	[sflag:s7] =	ssyncset.done $0x0  }
0x161: {  	s17 =	simm.s32 $0x1400;
	[sflag:s7] =	ssyncadd.s32 $0xFFFF6000  }
0x162: {  	[tilespmem:s4], [sflag:$0x1] =	stream.indirect.gather [hbm4b:s2+s3], $0x40, s17, s3, $0xb8;
	[tilespmem:$0x15900] =	vst v63  }
0x163: {  	_ = 	snop  }
0x164: {  	[tilespmem:s6], [sflag:$0x1] =	stream.indirect.gather [hbm4b:s2+s3], $0x40, s24, s3, $0xb8;
	[tilespmem:$0x15900] =	vst v63  }
0x165: {  	_ = 	snop  }
0x166: {  	[tilespmem:s8], [sflag:$0x1] =	stream.indirect.gather [hbm4b:s2+s3], $0x40, s25, s3, $0xb8;
	[tilespmem:$0x15900] =	vst v63  }
0x167: {  	_ = 	snop  }
0x168: {  	[tilespmem:s11], [sflag:$0x1] =	stream.indirect.gather [hbm4b:s2+s3], $0x40, s26, s3, $0xb8;
	[tilespmem:$0x15900] =	vst v63  }
0x169: {  	_ = 	snop  }
0x16a: {  	[tilespmem:s14], [sflag:$0x1] =	stream.indirect.gather [hbm4b:s2+s3], $0x40, s29, s3, $0xb8;
	[tilespmem:$0x15900] =	vst v63  }
0x16b: {  	_ =	swait.ge [sflag:s10], $0xA000  }
0x16c: {  	[sflag:s10] =	ssyncset.done $0x0  }
0x16d: {  	s17 =	rddreg [dreg:$0xb];
	[sflag:s10] =	ssyncadd.s32 $0xFFFF6000  }
0x16e: {  	[hbm4b:s17+s13] =	stream.strided.scatter [tilespmem:s5], [sflag:$0x2], $0xA000, s3, s13, $0x38;
	[tilespmem:$0x15900] =	vst v63  }
0x16f: {  	_ =	swait.ge [sflag:s7], $0xA000  }
0x170: {  	[sflag:s7] =	ssyncset.done $0x0  }
0x171: {  	[sflag:s7] =	ssyncadd.s32 $0xFFFF6000  }
0x172: {  	[tilespmem:s5], [sflag:$0x1] =	stream.indirect.gather [hbm4b:s2+s3], $0x40, s18, s3, $0xb8;
	[tilespmem:$0x15900] =	vst v63  }
0x173: {  	_ = 	snop  }
0x174: {  	[tilespmem:s9], [sflag:$0x1] =	stream.indirect.gather [hbm4b:s2+s3], $0x40, s19, s3, $0xb8;
	[tilespmem:$0x15900] =	vst v63  }
0x175: {  	_ = 	snop  }
0x176: {  	[tilespmem:s12], [sflag:$0x1] =	stream.indirect.gather [hbm4b:s2+s3], $0x40, s20, s3, $0xb8;
	[tilespmem:$0x15900] =	vst v63  }
0x177: {  	_ = 	snop  }
0x178: {  	[tilespmem:s15], [sflag:$0x1] =	stream.indirect.gather [hbm4b:s2+s3], $0x40, s21, s3, $0xb8;
	[tilespmem:$0x15900] =	vst v63  }
0x179: {  	_ = 	snop  }
0x17a: {  	[tilespmem:s16], [sflag:$0x1] =	stream.indirect.gather [hbm4b:s2+s3], $0x40, s22, s3, $0xb8;
	[tilespmem:$0x15900] =	vst v63  }
0x17b: {  	_ =	swait.ge [sflag:s10], $0xA000  }
0x17c: {  	[sflag:s10] =	ssyncset.done $0x0  }
0x17d: {  	s17 =	rddreg [dreg:$0xc];
	[sflag:s10] =	ssyncadd.s32 $0xFFFF6000  }
0x17e: {  	[hbm4b:s17+s13] =	stream.strided.scatter [tilespmem:s4], [sflag:$0x2], $0xA000, s3, s13, $0x38;
	[tilespmem:$0x15900] =	vst v63  }
0x17f: {  	_ =	swait.ge [sflag:s10], $0xA000  }
0x180: {  	[sflag:s10] =	ssyncset.done $0x0  }
0x181: {  	p1 =	sne.s32 s1, $0x1;
	s17 =	rddreg [dreg:$0xd];
	[sflag:s10] =	ssyncadd.s32 $0xFFFF6000  }
0x182: {  	[hbm4b:s17+s13] =	stream.strided.scatter [tilespmem:s5], [sflag:$0x2], $0xA000, s3, s13, $0x38;
	[tilespmem:$0x15900] =	vst v63  }
.Ltmp2:
0x183: {  	_ =	swait.ge [sflag:s7], $0xA000;
	(pc) =	sbr.rel @p1 .LBB2_4-.Ltmp2, $4  }
0x184: {  	[sflag:s7] =	ssyncset.done $0x0  }
0x185: {  	[sflag:s7] =	ssyncadd.s32 $0xFFFF6000  }
0x186: {  	_ =	swait.ge [sflag:s7], $0xA000  }
0x187: {  	s1 =	sadd.s32 $0xFFFFFFFF, s1;
	s0 =	rddreg [dreg:$0x3];
	[sflag:s7] =	ssyncset.done $0x0  }
0x188: {  	s22 =	simm.s32 $0x1380;
	s30 =	simm.s32 $0x1300;
	s29 =	simm.s32 $0x1600  }
0x189: {  	s26 =	simm.s32 $0x1580;
	s25 =	simm.s32 $0x1500;
	s24 =	simm.s32 $0x1480  }
0x18a: {  	s23 =	simm.s32 $0x1400;
	s21 =	simm.s32 $0x1800;
	s20 =	simm.s32 $0x1780  }
0x18b: {  	s19 =	simm.s32 $0x1700;
	s18 =	simm.s32 $0x1680;
	s17 =	stileid.u32  }
.LBB2_6:
0x18c: {  	[sflag:s7] =	ssyncadd.s32 @p0 $0xFFFF6000  }
0x18d: {  	[tilespmem:s28], [sflag:$0x3] =	stream.linear.gather [hbm4b:s0+s28], $0x1900, $0x38;
	[tilespmem:$0x15900] =	vst v63  }
0x18e: {  	_ =	swait.ge [sflag:s31], $0x1900  }
0x18f: {  	[sflag:s31] =	ssyncset.done $0x0  }
0x190: {  	[sflag:s31] =	ssyncadd.s32 $0xFFFFE700  }
0x191: {  	[tilespmem:s4], [sflag:$0x1] =	stream.indirect.gather [hbm4b:s2+s3], $0x40, s28, s3, $0xb8;
	[tilespmem:$0x15900] =	vst v63  }
0x192: {  	_ = 	snop  }
0x193: {  	[tilespmem:s6], [sflag:$0x1] =	stream.indirect.gather [hbm4b:s2+s3], $0x40, s3, s3, $0xb8;
	[tilespmem:$0x15900] =	vst v63  }
0x194: {  	s31 =	rddreg [dreg:$0xe]  }
0x195: {  	[tilespmem:s8], [sflag:$0x1] =	stream.indirect.gather [hbm4b:s2+s3], $0x40, s31, s3, $0xb8;
	[tilespmem:$0x15900] =	vst v63  }
0x196: {  	s1 =	rddreg [dreg:$0xf]  }
0x197: {  	[tilespmem:s11], [sflag:$0x1] =	stream.indirect.gather [hbm4b:s2+s3], $0x40, s1, s3, $0xb8;
	[tilespmem:$0x15900] =	vst v63  }
0x198: {  	s28 =	rddreg [dreg:$0x10]  }
0x199: {  	[tilespmem:s14], [sflag:$0x1] =	stream.indirect.gather [hbm4b:s2+s3], $0x40, s28, s3, $0xb8;
	[tilespmem:$0x15900] =	vst v63  }
0x19a: {  	s31 =	rddreg [dreg:$0x11]  }
0x19b: {  	[tilespmem:s5], [sflag:$0x1] =	stream.indirect.gather [hbm4b:s2+s3], $0x40, s31, s3, $0xb8;
	[tilespmem:$0x15900] =	vst v63  }
0x19c: {  	s28 =	rddreg [dreg:$0x12]  }
0x19d: {  	[tilespmem:s9], [sflag:$0x1] =	stream.indirect.gather [hbm4b:s2+s3], $0x40, s28, s3, $0xb8;
	[tilespmem:$0x15900] =	vst v63  }
0x19e: {  	s31 =	rddreg [dreg:$0x13]  }
0x19f: {  	[tilespmem:s12], [sflag:$0x1] =	stream.indirect.gather [hbm4b:s2+s3], $0x40, s31, s3, $0xb8;
	[tilespmem:$0x15900] =	vst v63  }
0x1a0: {  	s28 =	rddreg [dreg:$0x14]  }
0x1a1: {  	[tilespmem:s15], [sflag:$0x1] =	stream.indirect.gather [hbm4b:s2+s3], $0x40, s28, s3, $0xb8;
	[tilespmem:$0x15900] =	vst v63  }
0x1a2: {  	s31 =	rddreg [dreg:$0x15]  }
0x1a3: {  	[tilespmem:s16], [sflag:$0x1] =	stream.indirect.gather [hbm4b:s2+s3], $0x40, s31, s3, $0xb8;
	[tilespmem:$0x15900] =	vst v63  }
0x1a4: {  	_ =	swait.ge [sflag:s10], $0xA000  }
0x1a5: {  	[sflag:s10] =	ssyncset.done $0x0  }
0x1a6: {  	s1 =	rddreg [dreg:$0x4];
	[sflag:s10] =	ssyncadd.s32 $0xFFFF6000  }
0x1a7: {  	[hbm4b:s1+s13] =	stream.strided.scatter [tilespmem:s4], [sflag:$0x2], $0xA000, s3, s13, $0x38;
	[tilespmem:$0x15900] =	vst v63  }
0x1a8: {  	_ =	swait.ge [sflag:s7], $0xA000  }
0x1a9: {  	[sflag:s7] =	ssyncset.done $0x0  }
0x1aa: {  	s28 =	rddreg [dreg:$0x16];
	[sflag:s7] =	ssyncadd.s32 $0xFFFF6000  }
0x1ab: {  	[tilespmem:s4], [sflag:$0x1] =	stream.indirect.gather [hbm4b:s2+s3], $0x40, s28, s3, $0xb8;
	[tilespmem:$0x15900] =	vst v63  }
0x1ac: {  	s31 =	rddreg [dreg:$0x17]  }
0x1ad: {  	[tilespmem:s6], [sflag:$0x1] =	stream.indirect.gather [hbm4b:s2+s3], $0x40, s31, s3, $0xb8;
	[tilespmem:$0x15900] =	vst v63  }
0x1ae: {  	s28 =	rddreg [dreg:$0x18]  }
0x1af: {  	[tilespmem:s8], [sflag:$0x1] =	stream.indirect.gather [hbm4b:s2+s3], $0x40, s28, s3, $0xb8;
	[tilespmem:$0x15900] =	vst v63  }
0x1b0: {  	s31 =	rddreg [dreg:$0x19]  }
0x1b1: {  	[tilespmem:s11], [sflag:$0x1] =	stream.indirect.gather [hbm4b:s2+s3], $0x40, s31, s3, $0xb8;
	[tilespmem:$0x15900] =	vst v63  }
0x1b2: {  	s28 =	rddreg [dreg:$0x1a]  }
0x1b3: {  	[tilespmem:s14], [sflag:$0x1] =	stream.indirect.gather [hbm4b:s2+s3], $0x40, s28, s3, $0xb8;
	[tilespmem:$0x15900] =	vst v63  }
0x1b4: {  	_ =	swait.ge [sflag:s10], $0xA000  }
0x1b5: {  	[sflag:s10] =	ssyncset.done $0x0  }
0x1b6: {  	s31 =	rddreg [dreg:$0x5];
	[sflag:s10] =	ssyncadd.s32 $0xFFFF6000  }
0x1b7: {  	[hbm4b:s31+s13] =	stream.strided.scatter [tilespmem:s5], [sflag:$0x2], $0xA000, s3, s13, $0x38;
	[tilespmem:$0x15900] =	vst v63  }
0x1b8: {  	_ =	swait.ge [sflag:s7], $0xA000  }
0x1b9: {  	[sflag:s7] =	ssyncset.done $0x0  }
0x1ba: {  	s1 =	rddreg [dreg:$0x1b];
	[sflag:s7] =	ssyncadd.s32 $0xFFFF6000  }
0x1bb: {  	[tilespmem:s5], [sflag:$0x1] =	stream.indirect.gather [hbm4b:s2+s3], $0x40, s1, s3, $0xb8;
	[tilespmem:$0x15900] =	vst v63  }
0x1bc: {  	s28 =	rddreg [dreg:$0x1c]  }
0x1bd: {  	[tilespmem:s9], [sflag:$0x1] =	stream.indirect.gather [hbm4b:s2+s3], $0x40, s28, s3, $0xb8;
	[tilespmem:$0x15900] =	vst v63  }
0x1be: {  	s31 =	rddreg [dreg:$0x1d]  }
0x1bf: {  	[tilespmem:s12], [sflag:$0x1] =	stream.indirect.gather [hbm4b:s2+s3], $0x40, s31, s3, $0xb8;
	[tilespmem:$0x15900] =	vst v63  }
0x1c0: {  	s28 =	rddreg [dreg:$0x1e]  }
0x1c1: {  	[tilespmem:s15], [sflag:$0x1] =	stream.indirect.gather [hbm4b:s2+s3], $0x40, s28, s3, $0xb8;
	[tilespmem:$0x15900] =	vst v63  }
0x1c2: {  	s31 =	rddreg [dreg:$0x1f]  }
0x1c3: {  	[tilespmem:s16], [sflag:$0x1] =	stream.indirect.gather [hbm4b:s2+s3], $0x40, s31, s3, $0xb8;
	[tilespmem:$0x15900] =	vst v63  }
0x1c4: {  	_ =	swait.ge [sflag:s10], $0xA000  }
0x1c5: {  	[sflag:s10] =	ssyncset.done $0x0  }
0x1c6: {  	s1 =	rddreg [dreg:$0x6];
	[sflag:s10] =	ssyncadd.s32 $0xFFFF6000  }
0x1c7: {  	[hbm4b:s1+s13] =	stream.strided.scatter [tilespmem:s4], [sflag:$0x2], $0xA000, s3, s13, $0x38;
	[tilespmem:$0x15900] =	vst v63  }
0x1c8: {  	_ =	swait.ge [sflag:s7], $0xA000  }
0x1c9: {  	s28 =	sld [smem:$0x7EC]  }
0x1ca: {  	[sflag:s7] =	ssyncset.done $0x0  }
0x1cb: {  	s31 =	sld [smem:$0x7ED];
	[sflag:s7] =	ssyncadd.s32 $0xFFFF6000  }
0x1cc: {  	[tilespmem:s4], [sflag:$0x1] =	stream.indirect.gather [hbm4b:s2+s3], $0x40, s28, s3, $0xb8;
	[tilespmem:$0x15900] =	vst v63  }
0x1cd: {  	s28 =	sld [smem:$0x7EE]  }
0x1ce: {  	[tilespmem:s6], [sflag:$0x1] =	stream.indirect.gather [hbm4b:s2+s3], $0x40, s31, s3, $0xb8;
	[tilespmem:$0x15900] =	vst v63  }
0x1cf: {  	s31 =	sld [smem:$0x7EF]  }
0x1d0: {  	[tilespmem:s8], [sflag:$0x1] =	stream.indirect.gather [hbm4b:s2+s3], $0x40, s28, s3, $0xb8;
	[tilespmem:$0x15900] =	vst v63  }
0x1d1: {  	s28 =	sld [smem:$0x7F0]  }
0x1d2: {  	[tilespmem:s11], [sflag:$0x1] =	stream.indirect.gather [hbm4b:s2+s3], $0x40, s31, s3, $0xb8;
	[tilespmem:$0x15900] =	vst v63  }
0x1d3: {  	_ = 	snop  }
0x1d4: {  	[tilespmem:s14], [sflag:$0x1] =	stream.indirect.gather [hbm4b:s2+s3], $0x40, s28, s3, $0xb8;
	[tilespmem:$0x15900] =	vst v63  }
0x1d5: {  	_ =	swait.ge [sflag:s10], $0xA000  }
0x1d6: {  	[sflag:s10] =	ssyncset.done $0x0  }
0x1d7: {  	s31 =	rddreg [dreg:$0x7];
	[sflag:s10] =	ssyncadd.s32 $0xFFFF6000  }
0x1d8: {  	[hbm4b:s31+s13] =	stream.strided.scatter [tilespmem:s5], [sflag:$0x2], $0xA000, s3, s13, $0x38;
	[tilespmem:$0x15900] =	vst v63  }
0x1d9: {  	_ =	swait.ge [sflag:s7], $0xA000  }
0x1da: {  	s1 =	sld [smem:$0x7F1]  }
0x1db: {  	[sflag:s7] =	ssyncset.done $0x0  }
0x1dc: {  	s28 =	sld [smem:$0x7F2];
	[sflag:s7] =	ssyncadd.s32 $0xFFFF6000  }
0x1dd: {  	[tilespmem:s5], [sflag:$0x1] =	stream.indirect.gather [hbm4b:s2+s3], $0x40, s1, s3, $0xb8;
	[tilespmem:$0x15900] =	vst v63  }
0x1de: {  	s31 =	sld [smem:$0x7F3]  }
0x1df: {  	[tilespmem:s9], [sflag:$0x1] =	stream.indirect.gather [hbm4b:s2+s3], $0x40, s28, s3, $0xb8;
	[tilespmem:$0x15900] =	vst v63  }
0x1e0: {  	s28 =	sld [smem:$0x7F4]  }
0x1e1: {  	[tilespmem:s12], [sflag:$0x1] =	stream.indirect.gather [hbm4b:s2+s3], $0x40, s31, s3, $0xb8;
	[tilespmem:$0x15900] =	vst v63  }
0x1e2: {  	s31 =	sld [smem:$0x7F5]  }
0x1e3: {  	[tilespmem:s15], [sflag:$0x1] =	stream.indirect.gather [hbm4b:s2+s3], $0x40, s28, s3, $0xb8;
	[tilespmem:$0x15900] =	vst v63  }
0x1e4: {  	_ = 	snop  }
0x1e5: {  	[tilespmem:s16], [sflag:$0x1] =	stream.indirect.gather [hbm4b:s2+s3], $0x40, s31, s3, $0xb8;
	[tilespmem:$0x15900] =	vst v63  }
0x1e6: {  	_ =	swait.ge [sflag:s10], $0xA000  }
0x1e7: {  	[sflag:s10] =	ssyncset.done $0x0  }
0x1e8: {  	s1 =	rddreg [dreg:$0x8];
	[sflag:s10] =	ssyncadd.s32 $0xFFFF6000  }
0x1e9: {  	[hbm4b:s1+s13] =	stream.strided.scatter [tilespmem:s4], [sflag:$0x2], $0xA000, s3, s13, $0x38;
	[tilespmem:$0x15900] =	vst v63  }
0x1ea: {  	_ =	swait.ge [sflag:s7], $0xA000  }
0x1eb: {  	s28 =	sld [smem:$0x7F6]  }
0x1ec: {  	[sflag:s7] =	ssyncset.done $0x0  }
0x1ed: {  	s31 =	sld [smem:$0x7F7];
	[sflag:s7] =	ssyncadd.s32 $0xFFFF6000  }
0x1ee: {  	[tilespmem:s4], [sflag:$0x1] =	stream.indirect.gather [hbm4b:s2+s3], $0x40, s28, s3, $0xb8;
	[tilespmem:$0x15900] =	vst v63  }
0x1ef: {  	s28 =	sld [smem:$0x7F8]  }
0x1f0: {  	[tilespmem:s6], [sflag:$0x1] =	stream.indirect.gather [hbm4b:s2+s3], $0x40, s31, s3, $0xb8;
	[tilespmem:$0x15900] =	vst v63  }
0x1f1: {  	s31 =	sld [smem:$0x7F9]  }
0x1f2: {  	[tilespmem:s8], [sflag:$0x1] =	stream.indirect.gather [hbm4b:s2+s3], $0x40, s28, s3, $0xb8;
	[tilespmem:$0x15900] =	vst v63  }
0x1f3: {  	s28 =	sld [smem:$0x7FA]  }
0x1f4: {  	[tilespmem:s11], [sflag:$0x1] =	stream.indirect.gather [hbm4b:s2+s3], $0x40, s31, s3, $0xb8;
	[tilespmem:$0x15900] =	vst v63  }
0x1f5: {  	_ = 	snop  }
0x1f6: {  	[tilespmem:s14], [sflag:$0x1] =	stream.indirect.gather [hbm4b:s2+s3], $0x40, s28, s3, $0xb8;
	[tilespmem:$0x15900] =	vst v63  }
0x1f7: {  	_ =	swait.ge [sflag:s10], $0xA000  }
0x1f8: {  	[sflag:s10] =	ssyncset.done $0x0  }
0x1f9: {  	s31 =	rddreg [dreg:$0x9];
	[sflag:s10] =	ssyncadd.s32 $0xFFFF6000  }
0x1fa: {  	[hbm4b:s31+s13] =	stream.strided.scatter [tilespmem:s5], [sflag:$0x2], $0xA000, s3, s13, $0x38;
	[tilespmem:$0x15900] =	vst v63  }
0x1fb: {  	_ =	swait.ge [sflag:s7], $0xA000  }
0x1fc: {  	s1 =	sld [smem:$0x7FB]  }
0x1fd: {  	[sflag:s7] =	ssyncset.done $0x0  }
0x1fe: {  	s28 =	sld [smem:$0x7FC];
	[sflag:s7] =	ssyncadd.s32 $0xFFFF6000  }
0x1ff: {  	[tilespmem:s5], [sflag:$0x1] =	stream.indirect.gather [hbm4b:s2+s3], $0x40, s1, s3, $0xb8;
	[tilespmem:$0x15900] =	vst v63  }
0x200: {  	s31 =	sld [smem:$0x7FD]  }
0x201: {  	[tilespmem:s9], [sflag:$0x1] =	stream.indirect.gather [hbm4b:s2+s3], $0x40, s28, s3, $0xb8;
	[tilespmem:$0x15900] =	vst v63  }
0x202: {  	_ = 	snop  }
0x203: {  	[tilespmem:s12], [sflag:$0x1] =	stream.indirect.gather [hbm4b:s2+s3], $0x40, s31, s3, $0xb8;
	[tilespmem:$0x15900] =	vst v63  }
0x204: {  	_ = 	snop  }
0x205: {  	[tilespmem:s15], [sflag:$0x1] =	stream.indirect.gather [hbm4b:s2+s3], $0x40, s30, s3, $0xb8;
	[tilespmem:$0x15900] =	vst v63  }
0x206: {  	_ = 	snop  }
0x207: {  	[tilespmem:s16], [sflag:$0x1] =	stream.indirect.gather [hbm4b:s2+s3], $0x40, s22, s3, $0xb8;
	[tilespmem:$0x15900] =	vst v63  }
0x208: {  	_ =	swait.ge [sflag:s10], $0xA000  }
0x209: {  	[sflag:s10] =	ssyncset.done $0x0  }
0x20a: {  	s22 =	rddreg [dreg:$0xa];
	[sflag:s10] =	ssyncadd.s32 $0xFFFF6000  }
0x20b: {  	[hbm4b:s22+s13] =	stream.strided.scatter [tilespmem:s4], [sflag:$0x2], $0xA000, s3, s13, $0x38;
	[tilespmem:$0x15900] =	vst v63  }
0x20c: {  	_ =	swait.ge [sflag:s7], $0xA000  }
0x20d: {  	[sflag:s7] =	ssyncset.done $0x0  }
0x20e: {  	[sflag:s7] =	ssyncadd.s32 $0xFFFF6000  }
0x20f: {  	[tilespmem:s4], [sflag:$0x1] =	stream.indirect.gather [hbm4b:s2+s3], $0x40, s23, s3, $0xb8;
	[tilespmem:$0x15900] =	vst v63  }
0x210: {  	_ = 	snop  }
0x211: {  	[tilespmem:s6], [sflag:$0x1] =	stream.indirect.gather [hbm4b:s2+s3], $0x40, s24, s3, $0xb8;
	[tilespmem:$0x15900] =	vst v63  }
0x212: {  	_ = 	snop  }
0x213: {  	[tilespmem:s8], [sflag:$0x1] =	stream.indirect.gather [hbm4b:s2+s3], $0x40, s25, s3, $0xb8;
	[tilespmem:$0x15900] =	vst v63  }
0x214: {  	_ = 	snop  }
0x215: {  	[tilespmem:s11], [sflag:$0x1] =	stream.indirect.gather [hbm4b:s2+s3], $0x40, s26, s3, $0xb8;
	[tilespmem:$0x15900] =	vst v63  }
0x216: {  	_ = 	snop  }
0x217: {  	[tilespmem:s14], [sflag:$0x1] =	stream.indirect.gather [hbm4b:s2+s3], $0x40, s29, s3, $0xb8;
	[tilespmem:$0x15900] =	vst v63  }
0x218: {  	_ =	swait.ge [sflag:s10], $0xA000  }
0x219: {  	[sflag:s10] =	ssyncset.done $0x0  }
0x21a: {  	s28 =	rddreg [dreg:$0xb];
	[sflag:s10] =	ssyncadd.s32 $0xFFFF6000  }
0x21b: {  	[hbm4b:s28+s13] =	stream.strided.scatter [tilespmem:s5], [sflag:$0x2], $0xA000, s3, s13, $0x38;
	[tilespmem:$0x15900] =	vst v63  }
0x21c: {  	_ =	swait.ge [sflag:s7], $0xA000  }
0x21d: {  	[sflag:s7] =	ssyncset.done $0x0  }
0x21e: {  	[sflag:s7] =	ssyncadd.s32 $0xFFFF6000  }
0x21f: {  	[tilespmem:s5], [sflag:$0x1] =	stream.indirect.gather [hbm4b:s2+s3], $0x40, s18, s3, $0xb8;
	[tilespmem:$0x15900] =	vst v63  }
0x220: {  	_ = 	snop  }
0x221: {  	[tilespmem:s9], [sflag:$0x1] =	stream.indirect.gather [hbm4b:s2+s3], $0x40, s19, s3, $0xb8;
	[tilespmem:$0x15900] =	vst v63  }
0x222: {  	_ = 	snop  }
0x223: {  	[tilespmem:s12], [sflag:$0x1] =	stream.indirect.gather [hbm4b:s2+s3], $0x40, s20, s3, $0xb8;
	[tilespmem:$0x15900] =	vst v63  }
0x224: {  	_ = 	snop  }
0x225: {  	[tilespmem:s15], [sflag:$0x1] =	stream.indirect.gather [hbm4b:s2+s3], $0x40, s21, s3, $0xb8;
	[tilespmem:$0x15900] =	vst v63  }
0x226: {  	s29 =	simm.s32 $0x1880  }
0x227: {  	[tilespmem:s16], [sflag:$0x1] =	stream.indirect.gather [hbm4b:s2+s3], $0x40, s29, s3, $0xb8;
	[tilespmem:$0x15900] =	vst v63  }
0x228: {  	_ =	swait.ge [sflag:s10], $0xA000  }
0x229: {  	[sflag:s10] =	ssyncset.done $0x0  }
0x22a: {  	s30 =	rddreg [dreg:$0xc];
	[sflag:s10] =	ssyncadd.s32 $0xFFFF6000  }
0x22b: {  	[hbm4b:s30+s13] =	stream.strided.scatter [tilespmem:s4], [sflag:$0x2], $0xA000, s3, s13, $0x38;
	[tilespmem:$0x15900] =	vst v63  }
0x22c: {  	_ =	swait.ge [sflag:s10], $0xA000  }
0x22d: {  	[sflag:s10] =	ssyncset.done $0x0  }
0x22e: {  	s31 =	rddreg [dreg:$0xd];
	[sflag:s10] =	ssyncadd.s32 $0xFFFF6000  }
0x22f: {  	[hbm4b:s31+s13] =	stream.strided.scatter [tilespmem:s5], [sflag:$0x2], $0xA000, s3, s13, $0x38;
	[tilespmem:$0x15900] =	vst v63  }
0x230: {  	_ =	swait.ge [sflag:s7], $0xA000  }
0x231: {  	[sflag:s7] =	ssyncset.done $0x0  }
0x232: {  	[sflag:s7] =	ssyncadd.s32 $0xFFFF6000  }
0x233: {  	_ =	swait.ge [sflag:s7], $0xA000  }
0x234: {  	[sflag:s7] =	ssyncset.done $0x0  }
0x235: {  	[sflag:s7] =	ssyncadd.s32 $0xFFFF6000  }
0x236: {  	_ =	sfence.sel $0x180000  }
0x237: {  	[bflag:$0x0] =	sbarrier.arrive $0xFFFF  }
0x238: {  	_ =	strace $0x90000047  }
0x239: {  	[bflag:$0x2] =	sbarrier.arrive $0xFFFF  }
0x23a: {  	p0 =	sne.s32 s17, $0x0;
	s0 =	rddreg [dreg:$0x2]  }
0x23b: {  	s0 =	sadd.s32 @!p0 $0x100000, s0  }
0x23c: {  	[sflag:s0] =	ssyncadd.tile.s32 @!p0 $0x1;
	_ =	shalt  }
.LBB2_1:
.Ltmp3:
0x23d: {  	(pc) =	sbr.rel .LBB2_6-.Ltmp3, $4  }
0x23e: {  	s22 =	simm.s32 $0x1380;
	s30 =	simm.s32 $0x1300  }
0x23f: {  	s29 =	simm.s32 $0x1600;
	s26 =	simm.s32 $0x1580;
	s25 =	simm.s32 $0x1500  }
0x240: {  	s24 =	simm.s32 $0x1480;
	s23 =	simm.s32 $0x1400;
	s21 =	simm.s32 $0x1800  }
0x241: {  	s20 =	simm.s32 $0x1780;
	s19 =	simm.s32 $0x1700;
	s18 =	simm.s32 $0x1680  }
.LBB2_3:
.Ltmp4:
0x242: {  	(pc) =	sbr.rel .LBB2_6-.Ltmp4, $4  }
0x243: {  	s22 =	simm.s32 $0x1380;
	s30 =	simm.s32 $0x1300;
	s29 =	simm.s32 $0x1600  }
0x244: {  	s26 =	simm.s32 $0x1580;
	s25 =	simm.s32 $0x1500;
	s24 =	simm.s32 $0x1480  }
0x245: {  	s23 =	simm.s32 $0x1400;
	s21 =	simm.s32 $0x1800;
	s20 =	simm.s32 $0x1780  }
0x246: {  	s19 =	simm.s32 $0x1700;
	s18 =	simm.s32 $0x1680;
	s17 =	stileid.u32  }
.Lfunc_end2:
_tile_overlayer_lowered:
.L_overlay_start_2:
0x247: {  	(tag) =	ssettag $0x2  }
0x248: {  	s0 =	rddreg [dreg:$0x0];
	s2 =	stileid.u32  }
0x249: {  	s1 =	rddreg [dreg:$0x1];
	p0 =	sne.s32 s2, $0x0  }
0x24a: {  	s3 =	rddreg [dreg:$0x2];
	[bflag:$0x3] =	sbarrier.arrive $0xFFFF;
	s2 =	simm.s32 @!p0 $0x1C03  }
0x24b: {  	[timem:s3], [sflag:s2] =	dma.local @!p0 [hbm:s0], s1  }
0x24c: {  	s0 =	simm.s32 @!p0 $0x3  }
0x24d: {  	_ =	swait.ge @!p0 [sflag:s0], s1  }
0x24e: {  	s1 =	ssub.s32 @!p0 $0x0, s1;
	[sflag:s0] =	ssyncset.done @!p0 $0x0  }
0x24f: {  	[sflag:s0] =	ssyncadd.s32 @!p0 s1  }
0x250: {  	[bflag:$0x3] =	sbarrier.arrive $0xFFFF  }
0x251: {  	_ =	shalt  }

// kernel: sparse-core-data-format-call.cloned.1.call-start
scs
called_computation_lowered:
.L_overlay_start_0:
0x0: {  	s2 =	sld [smem:$0x3FD9]  }
0x1: {  	s3 =	sld [smem:$0x3FFE];
	_ =	sdelay $0x1  }
0x2: {  	s1 =	srdreg.scid  }
0x3: {  	s0 =	sand.u32 $0x1, s1  }
0x4: {  	s18 =	sshll.u32 s0, $0xA;
	s2 =	sadd.s32 s3, s2  }
0x5: {  	s2 =	sadd.s32 s2, s18  }
0x6: {  	[smem:$0x3FB8] =	sst s2  }
0x7: {  	_ = 	snop  }
0x8: {  	s2 =	sld [smem:$0x3FD0];
	(tm) =	ssettm $0x1  }
0x9: {  	s19 =	sld [smem:$0x3FFB];
	_ =	sdelay $0x3  }
0xa: {  	_ =	strace s19  }
0xb: {  	s3 =	sld [smem:$0x3FFC];
	_ =	sdelay $0x3  }
0xc: {  	_ =	strace s3  }
0xd: {  	s3 =	sld [smem:$0x3FFD];
	_ =	sdelay $0x3  }
0xe: {  	_ =	strace s3  }
0xf: {  	_ =	strace $0x8FFFFFFF  }
0x10: {  	s20 =	sld [smem:$0x3FDB];
	_ =	sdelay $0x1  }
0x11: {  	s4 =	simm.s32 $_scs_section_size  }
0x12: {  	s5 =	simm.s32 $_size__tile_overlayer_lowered;
	s6 =	simm.s32 $_tile_overlayer_lowered  }
0x13: {  	s23 =	simm.s32 $0x1BFF;
	s22 =	sshll.u32 s6, $0x1;
	s3 =	sadd.s32 s4, s20  }
0x14: {  	s7 =	simm.s32 $0x0;
	s21 =	sshll.u32 s5, $0x1;
	s5 =	sadd.s32 s22, s3  }
0x15: {  	[timem:s7], [sflag:s23] =	dma.local [hbm:s5], s21  }
0x16: {  	_ =	swait.ge [sflag:s23], s21  }
0x17: {  	s4 =	ssub.s32 $0x0, s21;
	[sflag:s23] =	ssyncset.done $0x0  }
0x18: {  	[sflag:s23] =	ssyncadd.s32 s4;
	_ =	sdelay $0x1  }
0x19: {  	s24 =	simm.s32 $0x1B8B  }
0x1a: {  	_ =	swait.ge [sflag:s24], $0x1  }
0x1b: {  	[sflag:s24] =	ssyncset.done $0x0  }
0x1c: {  	s26 =	simm.s32 $0x1B8E;
	s25 =	sld [smem:$0x3FFE];
	[sflag:s24] =	ssyncadd.s32 $0xFFFFFFFF  }
0x1d: {  	s27 =	simm.s32 $execute0_lowered;
	[smem:$0x3FD2] =	sst s26  }
0x1e: {  	s5 =	sshll.u32 s27, $0x1;
	_ =	strace $0x80000049;
	[dreg:$0x1] =	wrdreg $0xFFFFFFFF  }
0x1f: {  	s28 =	simm.s32 $_size_execute0_lowered;
	s3 =	sadd.s32 s3, s5;
	[dreg:$0x0] =	wrdreg $0x0  }
0x20: {  	s5 =	sshll.u32 s28, $0x1;
	[dreg:$0x2] =	wrdreg s3  }
0x21: {  	[dreg:$0x3] =	wrdreg s5  }
0x22: {  	[dreg:$0x4] =	wrdreg $0xC0  }
0x23: {  	_ =	task [dreg:s7], $0x5FFFF  }
0x24: {  	[dreg:$0x1] =	wrdreg $0xFFFFFFFF  }
0x25: {  	[dreg:$0x0] =	wrdreg $0x60  }
0x26: {  	[dreg:$0x2] =	wrdreg s25  }
0x27: {  	[dreg:$0x3] =	wrdreg s2  }
0x28: {  	[dreg:$0x4] =	wrdreg $0x9  }
0x29: {  	_ =	task.clear_ibuf [dreg:s7], $0x5FFFF;
	_ =	strace $0x90000049  }
0x2a: {  	s29 =	simm.s32 $0x9;
	_ =	strace $0x8000004B  }
0x2b: {  	_ =	swait.ge [sflag:s29], $0x1  }
0x2c: {  	[sflag:s29] =	ssyncadd.s32 $0xFFFFFFFF  }
0x2d: {  	_ =	strace $0x9000004B  }
0x2e: {  	_ =	sfence  }
0x2f: {  	s30 =	sld [smem:$0x0];
	_ =	sdelay $0x2  }
0x30: {  	s31 =	sshll.u32 s1, $0xD;
	s1 =	sshrl.u32 s1, $0x2  }
0x31: {  	s3 =	sand.u32 $0x4000, s31;
	s1 =	sadd.s32 s1, s30  }
0x32: {  	s0 =	sor.u32 s3, s0;
	s1 =	sshll.u32 s1, $0x11  }
0x33: {  	s0 =	sor.u32 s1, s0  }
0x34: {  	s0 =	sadd.s32 $0x8F2B, s0  }
0x35: {  	[sflag:s0] =	ssyncadd.remote.s32 $0x1  }
0x36: {  	_ =	sfence.sel $0xFFFF  }
0x37: {  	[dreg:$0x0] =	wrdreg $0xFFFFFFFF;
	(pc) =	sbr.abs _section_cstart, $3  }
0x38: {  	[dreg:$0x1] =	wrdreg $0xFFFFFFFF  }
0x39: {  	_ =	task.clear_ibuf [dreg:s7], $0x2FFFF;
	_ =	strace $0x9FFFFFFF  }
0x3a: {  	(tm) =	ssettm $0x7FFFFFFF  }
0x3b: {  	_ =	shalt  }
tec
execute0_lowered:
.L_overlay_start_1:
0x0: {  	(tag) =	ssettag $0x1  }
0x1: {  	s0 =	stileid.u32;
	s6 =	rddreg [dreg:$0x0]  }
0x2: {  	s2 =	rddreg [dreg:$0x1];
	s5 =	srdreg.scid  }
0x3: {  	s31 =	simm.s32 $0x2;
	s13 =	simm.s32 $0x0;
	s1 =	sshll.u32 s0, $0x7  }
0x4: {  	s14 =	simm.s32 $0x0;
	s12 =	simm.s32 $0x0;
	s3 =	sand.u32 $0x380, s1  }
0x5: {  	s5 =	sshll.u32 s5, $0x4;
	s6 =	sadd.s32 $0x322200, s6;
	s4 =	ssub.s32 $0x400, s3  }
0x6: {  	s1 =	rddreg [dreg:$0x2];
	_ =	strace $0x8000004A;
	s7 =	sand.u32 $0x380, s4  }
0x7: {  	s5 =	sand.u32 $0x10, s5;
	p0 =	sne.s32 s7, $0x0;
	s7 =	simm.s32 $0x1  }
.Ltmp0:
0x8: {  	s8 =	sshrl.u32 s4, $0xA;
	s7 =	simm.s32 @!p0 $0x0;
	(pc) =	sbr.rel .LBB1_1-.Ltmp0, $4  }
0x9: {  	s9 =	sor.u32 s0, s5;
	s4 =	simm.s32 $0x1;
	s30 =	sadd.s32 s7, s8  }
0xa: {  	s11 =	smov.u32 s3;
	[sflag:s4] =	ssyncpa.u1 $0x0;
	s5 =	smul.u32 $0x32, s30  }
0xb: {  	[sflag:s31] =	ssyncpa.u1 $0x0;
	p0 =	por $0x0, $0x0;
	s7 =	sshrl.u32 s9, $0x3  }
0xc: {  	s9 =	simm.s32 $0x2000;
	s10 =	smov.u32 s7;
	s8 =	sor.u32 $0x1, s5  }
.LBB1_4:
0xd: {  	s17 =	sand.u32 $0x1F80, s14;
	s13 =	sshll.u32 s13, $0xD  }
0xe: {  	[tilespmem:s16+$0x810 ss:$0x81] =	vst.msk $0xffff, v2;
	s18 =	sshrl.u32 s14, $0x3;
	s31 =	sand.u32 $0x7, s14;
	s17 =	sadd.s32 s2, s17  }
0xf: {  	[tilespmem:s16+$0x1020 ss:$0x81] =	vst.msk $0xffff, v0;
	s18 =	sand.u32 $0xF, s18;
	s14 =	sshll.u32 s31, $0x12;
	s13 =	sadd.s32 s13, s17  }
0x10: {  	[tilespmem:s16+$0x0 ss:$0x81] =	vst.msk $0xffff, v1;
	s14 =	sor.u32 $0x400, s14;
	s13 =	sadd.s32 s18, s13  }
0x11: {  	[hbm4b:s13+s14] =	stream.strided.scatter [tilespmem:s15], [sflag:$0x2], $0x2000, s9, s14, $0x20;
	[tilespmem:$0x8080] =	vst v63  }
.LBB1_5:
0x12: {  	s15 =	sadd.s32 $0x4, s10  }
0x13: {  	s13 =	sadd.s32 $0x400, s11;
	s17 =	smov.u32 s11;
	p2 =	sgt.s32 s15, $0xC7  }
0x14: {  	s17 =	smov.u32 @p2 s13  }
0x15: {  	s15 =	smov.u32 @p2 s7;
	p2 =	sgt.s32 s17, $0x3FF  }
0x16: {  	s17 =	smov.u32 @p2 s3;
	p2 =	sne.s32 s12, s8  }
.Ltmp1:
0x17: {  	p1 =	slt.u32 s12, $0x2;
	(pc) =	sbr.rel @!p2 .LBB1_6-.Ltmp1, $4  }
0x18: {  	s16 =	simm.s32 @!p1 $0x2  }
0x19: {  	s14 =	smov.u32 s11;
	p0 =	por !p0, !p0;
	_ =	swait.ge @!p1 [sflag:s16], $0x2000  }
0x1a: {  	s13 =	smov.u32 s10;
	[sflag:s16] =	ssyncset.done @!p1 $0x0;
	s10 =	smov.u32 s15  }
0x1b: {  	s12 =	sadd.s32 $0x1, s12;
	[sflag:s16] =	ssyncadd.s32 @!p1 $0xFFFFE000;
	s11 =	smov.u32 s17  }
.LBB1_1:
0x1c: {  	p1 =	sge.u32 s12, s5  }
0x1d: {  	s15 =	sand.u32 @!p1 $0x1FFFFFF, s10  }
0x1e: {  	s16 =	smulhi.u32 @!p1 $0x147AE15, s15;
	_ =	sdelay $0x1  }
0x1f: {  	s16 =	smul.u32 @!p1 $0xC8, s16  }
0x20: {  	s17 =	sxor.u32 @!p1 $0xFFFFFFFF, s12;
	s18 =	smul.u32 @!p1 $0xC80, s11  }
0x21: {  	s31 =	sadd.s32 $0xFFFFFFFF, s12;
	s17 =	sshll.u32 @!p1 s17, $0xD;
	s15 =	ssub.s32 @!p1 s15, s16  }
0x22: {  	s16 =	sand.u32 @!p1 $0x2000, s17;
	s17 =	sadd.s32 @!p1 s6, s18;
	s15 =	sshll.u32 @!p1 s15, $0x4  }
0x23: {  	s18 =	simm.s32 @!p1 $0x6400;
	s15 =	sadd.s32 @!p1 s15, s17;
	s17 =	simm.s32 @!p1 $0x40  }
0x24: {  	[tilespmem:s16], [sflag:$0x1] =	stream.strided.gather @!p1 [hbm4b:s15+s17], $0x2000, s18, s17, $0x38;
	[tilespmem:$0x8080] =	vst v63  }
0x25: {  	p1 =	sge.u32 s31, s5  }
.Ltmp2:
0x26: {  	_ = 	snop;
	(pc) =	sbr.rel @p1 .LBB1_5-.Ltmp2, $1  }
0x27: {  	_ =	sdelay $0x3  }
0x28: {  	s15 =	simm.s32 $0x1  }
0x29: {  	_ =	swait.ge [sflag:s4], $0x2000;
	s15 =	simm.s32 @!p0 $0x0  }
0x2a: {  	[sflag:s4] =	ssyncset.done $0x0;
	s16 =	sshll.u32 s15, $0xD  }
0x2b: {  	[sflag:s4] =	ssyncadd.s32 $0xFFFFE000;
	s19 =	sor.u32 $0x20, s16  }
0x2c: {  	s15 =	smul.u32 $0x8100, s15;
	v3 =	vld [tilespmem:s19+$0x10]  }
0x2d: {  	s30 =	sand.u32 $0x1, s12;
	v2 =	vld [tilespmem:s19+$0xFFFFFFF0]  }
0x2e: {  	s16 =	smul.u32 $0x8100, s30;
	s15 =	sshrl.u32 s15, $0x2;
	v0 =	vld [tilespmem:s19+$0x0]  }
0x2f: {  	v1 =	vld [tilespmem:s19+$0xFFFFFFE0];
	s17 =	sor.u32 $0x4000, s15  }
0x30: {  	s31 =	sshrl.u32 s16, $0x2;
	s16 =	sadd.s32 $0x0, s17  }
0x31: {  	s18 =	simm.s32 $0x4;
	s19 =	sadd.s32 $0x40, s19;
	s15 =	sor.u32 $0x4000, s31;
	[tilespmem:s16+$0x1830 ss:$0x81] =	vst.msk $0xffff, v3  }
.LBB1_3:
0x32: {  	v3 =	vld [tilespmem:s19+$0x10];
	p1 =	sne.s32 s18, $0x1FC;
	[tilespmem:s16+$0x810 ss:$0x81] =	vst.msk $0xffff, v2;
	s20 =	smov.u32 s18;
	s18 =	sadd.s32 $0x4, s18  }
.Ltmp3:
0x33: {  	v2 =	vld [tilespmem:s19+$0xFFFFFFF0];
	[tilespmem:s16+$0x1020 ss:$0x81] =	vst.msk $0xffff, v0;
	(pc) =	sbr.rel @p1 .LBB1_3-.Ltmp3, $4  }
0x34: {  	v0 =	vld [tilespmem:s19+$0x0];
	[tilespmem:s16+$0x0 ss:$0x81] =	vst.msk $0xffff, v1  }
0x35: {  	s16 =	sshra.s32 s20, $0x2;
	v1 =	vld [tilespmem:s19+$0xFFFFFFE0]  }
0x36: {  	s16 =	sadd.s32 s16, s17  }
0x37: {  	s19 =	sadd.s32 $0x40, s19;
	[tilespmem:s16+$0x1830 ss:$0x81] =	vst.msk $0xffff, v3  }
.Ltmp4:
0x38: {  	_ = 	snop;
	(pc) =	sbr.rel .LBB1_4-.Ltmp4, $1  }
0x39: {  	_ =	sdelay $0x3  }
.LBB1_6:
0x3a: {  	_ =	sfence.sel $0x180000  }
0x3b: {  	s2 =	simm.s32 $0x1;
	[bflag:$0x0] =	sbarrier.arrive $0xFFFF  }
0x3c: {  	s31 =	simm.s32 $0x2;
	[sflag:s2] =	ssyncpa.u1 $0x1  }
0x3d: {  	[sflag:s31] =	ssyncpa.u1 $0x1  }
0x3e: {  	p0 =	sne.s32 s0, $0x0;
	_ =	strace $0x9000004A  }
0x3f: {  	s0 =	sadd.s32 @!p0 $0x100000, s1;
	[bflag:$0x2] =	sbarrier.arrive $0xFFFF  }
0x40: {  	[sflag:s0] =	ssyncadd.tile.s32 @!p0 $0x1;
	_ =	shalt  }
.Lfunc_end1:
_tile_overlayer_lowered:
.L_overlay_start_2:
0x41: {  	(tag) =	ssettag $0x2  }
0x42: {  	s0 =	rddreg [dreg:$0x0];
	s2 =	stileid.u32  }
0x43: {  	s1 =	rddreg [dreg:$0x1];
	p0 =	sne.s32 s2, $0x0  }
0x44: {  	s3 =	rddreg [dreg:$0x2];
	[bflag:$0x3] =	sbarrier.arrive $0xFFFF;
	s2 =	simm.s32 @!p0 $0x1C01  }
0x45: {  	[timem:s3], [sflag:s2] =	dma.local @!p0 [hbm:s0], s1  }
0x46: {  	s0 =	simm.s32 @!p0 $0x1  }
0x47: {  	_ =	swait.ge @!p0 [sflag:s0], s1  }
0x48: {  	s1 =	ssub.s32 @!p0 $0x0, s1;
	[sflag:s0] =	ssyncset.done @!p0 $0x0  }
0x49: {  	[sflag:s0] =	ssyncadd.s32 @!p0 s1  }
0x4a: {  	[bflag:$0x3] =	sbarrier.arrive $0xFFFF  }
0x4b: {  	_ =	shalt  }

</sc_bundles>
